<compile_context>
chip_gen: v7x
topology: tpu7x:2x2x1
jax: 0.10.2.dev20260603
libtpu: 0.0.44.dev20260713+nightly
codegen_flags: <defaults>
</compile_context>

<pallas_src>
import functools

import jax
import jax.numpy as jnp
from jax import lax
from jax.experimental import pallas as pl
from jax.experimental.pallas import tpu as pltpu
from jax.experimental.pallas import tpu_sc as plsc

_NW = 32
_CH = 128
_L = 16
_NTC = 7813


def kernel(indices, offsets, table):
    del offsets
    B = indices.shape[0]
    V, D = table.shape
    b_per_w = B // _NW
    n_ch = b_per_w // _CH
    p3 = (indices >> 1).reshape(_NW, n_ch, _CH).astype(jnp.int32)
    h3 = (indices & 1).reshape(_NW, n_ch, _CH).astype(jnp.int32)
    tableT = table.T

    n_full = _NTC - 1
    ragged_w = n_full % _NW
    kmax = (n_full + _NW - 1) // _NW

    mesh = plsc.VectorSubcoreMesh(core_axis_name="c", subcore_axis_name="s")

    @functools.partial(
        pl.kernel,
        mesh=mesh,
        compiler_params=pltpu.CompilerParams(needs_layout_passes=False),
        out_type=(
            jax.ShapeDtypeStruct((D, B), jnp.float32),
            jax.ShapeDtypeStruct((V // 2, 2 * D), jnp.float32),
        ),
        scratch_types=[
            pltpu.VMEM((n_ch, _CH), jnp.int32),
            pltpu.VMEM((n_ch, _CH), jnp.int32),
            pltpu.VMEM((D, 2 * D), jnp.float32),
            pltpu.VMEM((D, 2 * D), jnp.float32),
            pltpu.VMEM((D, 2 * D), jnp.float32),
            pltpu.VMEM((D, 2 * D), jnp.float32),
            pltpu.VMEM((_CH, 2 * D), jnp.float32),
            pltpu.VMEM((_CH, 2 * D), jnp.float32),
            pltpu.VMEM((D, _CH), jnp.float32),
            pltpu.VMEM((D, _CH), jnp.float32),
            pltpu.SemaphoreType.DMA,
            pltpu.SemaphoreType.DMA,
            pltpu.SemaphoreType.DMA,
            pltpu.SemaphoreType.DMA,
            pltpu.SemaphoreType.REGULAR,
        ],
    )
    def _fused(p_hbm, h_hbm, tableT_hbm, tailp_hbm, outT_hbm, scr_hbm,
               pv, hv, tbuf0, tbuf1, rbuf0, rbuf1, gbuf0, gbuf1,
               obuf0, obuf1, lsem, ssem, gsem, osem, bsem):
        wid = lax.axis_index("s") * 2 + lax.axis_index("c")
        base = wid * b_per_w
        pltpu.sync_copy(p_hbm.at[wid], pv)
        pltpu.sync_copy(h_hbm.at[wid], hv)

        iota = lax.iota(jnp.int32, _L)
        half = iota // 2
        parity64 = (iota % 2) * D
        rows_g = tuple(g * 8 + half for g in range(8))
        cols_g = tuple(g * _L + iota for g in range(8))

        def wait_load(buf):
            pltpu.make_async_copy(
                tableT_hbm.at[:, pl.ds(0, _CH)], buf, lsem).wait()

        def wait_store(buf):
            pltpu.make_async_copy(
                buf, scr_hbm.at[pl.ds(0, D), :], ssem).wait()

        def start_load(tc, buf):
            pltpu.async_copy(
                tableT_hbm.at[:, pl.ds(tc * _CH, _CH)], buf, lsem)

        def start_store(tc, buf):
            pltpu.async_copy(
                buf, scr_hbm.at[pl.ds(tc * D, D), :], ssem)

        def transpose_panel(tbuf, rbuf, ngr):
            def cbody(ci, carry):
                ccs = [jnp.full((_L,), 2 * ci + u, jnp.int32)
                       for u in range(2)]
                ms = [[parity64 + ((cc + cols_g[g]) & 63)
                       for g in range(ngr)] for cc in ccs]
                xs = [[plsc.load_gather(tbuf, [cc, cols_g[g]])
                       for g in range(ngr)] for cc in ccs]
                for u in range(2):
                    for g in range(ngr):
                        plsc.store_scatter(
                            rbuf, [rows_g[g], ms[u][g]], xs[u][g])
                return carry
            lax.fori_loop(0, D // 2, cbody, 0)

        @pl.when(wid < n_full)
        def _():
            start_load(wid, tbuf0)

        def p1body(kk, carry):
            for b, (tb, rb) in enumerate(((tbuf0, rbuf0), (tbuf1, rbuf1))):
                k = 2 * kk + b
                tc = k * _NW + wid
                nxt = tc + _NW

                @pl.when(tc < n_full)
                def _():
                    wait_load(tb)

                    @pl.when(nxt < n_full)
                    def _():
                        start_load(nxt, tbuf1 if b == 0 else tbuf0)

                    @pl.when(k >= 2)
                    def _():
                        wait_store(rb)
                    transpose_panel(tb, rb, 8)
                    start_store(tc, rb)
            return carry

        lax.fori_loop(0, (kmax + 1) // 2, p1body, 0)

        nvalid = lax.select(wid < (n_full - (kmax - 1) * _NW),
                            jnp.int32(kmax), jnp.int32(kmax - 1))

        def draino(i, carry):
            @pl.when(i < lax.min(nvalid, jnp.int32(2)))
            def _():
                wait_store(rbuf0)
            return carry

        lax.fori_loop(0, 2, draino, 0)

        @pl.when(wid == ragged_w)
        def _():
            pltpu.sync_copy(tailp_hbm, tbuf0.at[pl.ds(0, D // 2), :])

            def tcbody(c, carry):
                cc = jnp.full((_L,), c, jnp.int32)
                for g in range(4):
                    x = plsc.load_gather(
                        tbuf0, [rows_g[g], parity64 + c])
                    m = parity64 + ((cc + cols_g[g]) & 63)
                    plsc.store_scatter(rbuf0, [rows_g[g], m], x)
                return carry

            lax.fori_loop(0, D, tcbody, 0)
            pltpu.sync_copy(
                rbuf0.at[pl.ds(0, D // 2), :],
                scr_hbm.at[pl.ds(n_full * D, D // 2), :])

        plsc.subcore_barrier()
        pltpu.core_barrier(bsem, core_axis_name="c")

        def wait_gather(buf):
            pltpu.make_async_copy(
                scr_hbm.at[pl.ds(0, _CH)], buf, gsem).wait()

        def wait_ostore(buf):
            pltpu.make_async_copy(
                buf, outT_hbm.at[:, pl.ds(0, _CH)], osem).wait()

        pltpu.async_copy(scr_hbm.at[pv.at[0]], gbuf0, gsem)

        def select_chunk(j, gbuf, obuf):
            h64 = []
            rfull = []
            for g in range(8):
                h = hv[j, pl.ds(g * _L, _L)]
                p = pv[j, pl.ds(g * _L, _L)]
                h64.append(h * D)
                rfull.append(2 * p + h)

            def cbody(ci, carry):
                ccs = [jnp.full((_L,), 2 * ci + u, jnp.int32)
                       for u in range(2)]
                xs = [[plsc.load_gather(
                    gbuf, [cols_g[g], h64[g] + ((cc + rfull[g]) & 63)])
                    for g in range(8)] for cc in ccs]
                for u in range(2):
                    for g in range(8):
                        plsc.store_scatter(obuf, [ccs[u], cols_g[g]], xs[u][g])
                return carry

            lax.fori_loop(0, D // 2, cbody, 0)

        def p2body(jj, carry):
            for b, (gb, ob) in enumerate(((gbuf0, obuf0), (gbuf1, obuf1))):
                j = 2 * jj + b
                wait_gather(gb)

                @pl.when(j + 1 < n_ch)
                def _():
                    pltpu.async_copy(
                        scr_hbm.at[pv.at[j + 1]],
                        gbuf1 if b == 0 else gbuf0, gsem)

                @pl.when(j >= 2)
                def _():
                    wait_ostore(ob)
                select_chunk(j, gb, ob)
                pltpu.async_copy(
                    ob, outT_hbm.at[:, pl.ds(base + j * _CH, _CH)], osem)
            return carry

        lax.fori_loop(0, n_ch // 2, p2body, 0)
        wait_ostore(obuf0)
        wait_ostore(obuf1)

    tailp = table[(V // _CH) * _CH:].reshape(D // 2, 2 * D)
    outT, _ = _fused(p3, h3, tableT, tailp)
    return outT.T

# --- scband reference (transcript-rebuilt; emitter-appended) ---
"""Pipeline reference for scband-batched-fused-embedding-39101382263505 (READ-ONLY COPY).

The authoritative reference and input builder live on the scoring server;
editing this copy changes nothing except your own understanding.
"""

import jax, jax.numpy as jnp
import numpy as np

NUM_EMBEDDINGS = 1000000
EMBEDDING_DIM = 64
TOTAL_INDICES = 327680
BATCH = 16384


def setup_inputs(seed: int = 0) -> dict:
    key = jax.random.key(seed)
    k1, k2, k3 = jax.random.split(key, 3)
    indices = jax.random.randint(k1, (TOTAL_INDICES,), 0, NUM_EMBEDDINGS)
    offsets = jnp.sort(jax.random.randint(k2, (BATCH + 1,), 0, TOTAL_INDICES))
    # fused embedding table, uniform init like torchrec (sqrt(1/num_embeddings) bound)
    bound = float(np.sqrt(1.0 / NUM_EMBEDDINGS))
    table = jax.random.uniform(k3, (NUM_EMBEDDINGS, EMBEDDING_DIM), minval=-bound, maxval=bound, dtype=jnp.float32)
    return {"indices": indices, "offsets": offsets, "table": table}


def reference(indices, offsets, table):
    # BatchedFusedEmbedding (pooling=NONE): sequence embedding lookup.
    # emb_module(indices, offsets) returns one embedding row per index;
    # offsets delimit per-sample jagged segments but do not pool.
    out = jnp.take(table, indices, axis=0)
    return out

if __name__ == "__main__":
    import jax
    _d = setup_inputs()
    print(jax.jit(kernel)(*tuple(_d.values())))

</pallas_src>

<mosaic_0001>
#map = affine_map<(d0, d1) -> (0, 0, 0)>
#map1 = affine_map<(d0, d1) -> (0, 0)>
module attributes {stable_mosaic.version = 14 : i64} {
  func.func @_fused(%arg0: i32, %arg1: i32, %arg2: memref<32x80x128xi32, #tpu.memory_space<hbm>>, %arg3: memref<32x80x128xi32, #tpu.memory_space<hbm>>, %arg4: memref<64x1000000xf32, #tpu.memory_space<hbm>>, %arg5: memref<32x128xf32, #tpu.memory_space<hbm>>, %arg6: memref<64x327680xf32, #tpu.memory_space<hbm>>, %arg7: memref<500000x128xf32, #tpu.memory_space<hbm>>, %arg8: memref<80x128xi32, #tpu.memory_space<vmem>>, %arg9: memref<80x128xi32, #tpu.memory_space<vmem>>, %arg10: memref<64x128xf32, #tpu.memory_space<vmem>>, %arg11: memref<64x128xf32, #tpu.memory_space<vmem>>, %arg12: memref<64x128xf32, #tpu.memory_space<vmem>>, %arg13: memref<64x128xf32, #tpu.memory_space<vmem>>, %arg14: memref<128x128xf32, #tpu.memory_space<vmem>>, %arg15: memref<128x128xf32, #tpu.memory_space<vmem>>, %arg16: memref<64x128xf32, #tpu.memory_space<vmem>>, %arg17: memref<64x128xf32, #tpu.memory_space<vmem>>, %arg18: memref<!tpu.dma_semaphore, #tpu.memory_space<semaphore_mem>>, %arg19: memref<!tpu.dma_semaphore, #tpu.memory_space<semaphore_mem>>, %arg20: memref<!tpu.dma_semaphore, #tpu.memory_space<semaphore_mem>>, %arg21: memref<!tpu.dma_semaphore, #tpu.memory_space<semaphore_mem>>, %arg22: memref<!tpu.semaphore, #tpu.memory_space<semaphore_mem>>) attributes {dimension_semantics = [#tpu.dimension_semantics<core_parallel>, #tpu.dimension_semantics<subcore_parallel>], iteration_bounds = array<i64: 2, 16>, scalar_prefetch = 0 : i64, scratch_operands = 15 : i64, tpu.core_type = #tpu.core_type<sc_vector_subcore>, window_params = [{transform_indices = #map}, {transform_indices = #map}, {transform_indices = #map1}, {transform_indices = #map1}, {transform_indices = #map1}, {transform_indices = #map1}]} {
    %mul3A = arith.constant 2 : i32
    %mul3A_0 = arith.muli %arg1, %mul3A : i32
    %add3A = arith.addi %mul3A_0, %arg0 : i32
    %mul3A_1 = arith.constant 10240 : i32
    %mul3A_2 = arith.muli %add3A, %mul3A_1 : i32
    "tpu.region"() ({
      %run_scoped3A = tpu.sem_alloc : memref<!tpu.dma_semaphore, #tpu.memory_space<semaphore_mem>>
      %dma_start3A_155 = arith.constant 0 : i32
      %dma_start3A_156 = arith.constant 0 : i32
      %dma_start3A_157 = tpu.memref_slice %arg2[%add3A, %dma_start3A_155, %dma_start3A_156] : memref<32x80x128xi32, #tpu.memory_space<hbm>> -> memref<1x80x128xi32, #tpu.memory_space<hbm>>
      %dma_start3A_158 = tpu.memref_squeeze %dma_start3A_157 : memref<1x80x128xi32, #tpu.memory_space<hbm>> -> memref<80x128xi32, #tpu.memory_space<hbm>>
      %dma_start3A_159 = arith.constant 0 : i32
      %dma_start3A_160 = arith.constant 0 : i32
      %dma_start3A_161 = tpu.memref_slice %arg2[%add3A, %dma_start3A_159, %dma_start3A_160] : memref<32x80x128xi32, #tpu.memory_space<hbm>> -> memref<1x80x128xi32, #tpu.memory_space<hbm>>
      %dma_start3A_162 = tpu.memref_squeeze %dma_start3A_161 : memref<1x80x128xi32, #tpu.memory_space<hbm>> -> memref<80x128xi32, #tpu.memory_space<hbm>>
      tpu.enqueue_dma source(%dma_start3A_162 : memref<80x128xi32, #tpu.memory_space<hbm>>) target(%arg8 : memref<80x128xi32, #tpu.memory_space<vmem>>) target_semaphore(%run_scoped3A : memref<!tpu.dma_semaphore, #tpu.memory_space<semaphore_mem>>)
      %dma_wait3A_163 = arith.constant 0 : i32
      %dma_wait3A_164 = arith.constant 0 : i32
      %dma_wait3A_165 = tpu.memref_slice %arg2[%add3A, %dma_wait3A_163, %dma_wait3A_164] : memref<32x80x128xi32, #tpu.memory_space<hbm>> -> memref<1x80x128xi32, #tpu.memory_space<hbm>>
      %dma_wait3A_166 = tpu.memref_squeeze %dma_wait3A_165 : memref<1x80x128xi32, #tpu.memory_space<hbm>> -> memref<80x128xi32, #tpu.memory_space<hbm>>
      %dma_wait3A_167 = arith.constant 0 : i32
      %dma_wait3A_168 = arith.constant 0 : i32
      %dma_wait3A_169 = tpu.memref_slice %arg2[%add3A, %dma_wait3A_167, %dma_wait3A_168] : memref<32x80x128xi32, #tpu.memory_space<hbm>> -> memref<1x80x128xi32, #tpu.memory_space<hbm>>
      %dma_wait3A_170 = tpu.memref_squeeze %dma_wait3A_169 : memref<1x80x128xi32, #tpu.memory_space<hbm>> -> memref<80x128xi32, #tpu.memory_space<hbm>>
      tpu.wait_dma2 semaphore(%run_scoped3A : memref<!tpu.dma_semaphore, #tpu.memory_space<semaphore_mem>>) src(%dma_wait3A_170 : memref<80x128xi32, #tpu.memory_space<hbm>>) dst(%arg8 : memref<80x128xi32, #tpu.memory_space<vmem>>)
      tpu.yield
    }) : () -> ()
    "tpu.region"() ({
      %run_scoped3A = tpu.sem_alloc : memref<!tpu.dma_semaphore, #tpu.memory_space<semaphore_mem>>
      %dma_start3A_155 = arith.constant 0 : i32
      %dma_start3A_156 = arith.constant 0 : i32
      %dma_start3A_157 = tpu.memref_slice %arg3[%add3A, %dma_start3A_155, %dma_start3A_156] : memref<32x80x128xi32, #tpu.memory_space<hbm>> -> memref<1x80x128xi32, #tpu.memory_space<hbm>>
      %dma_start3A_158 = tpu.memref_squeeze %dma_start3A_157 : memref<1x80x128xi32, #tpu.memory_space<hbm>> -> memref<80x128xi32, #tpu.memory_space<hbm>>
      %dma_start3A_159 = arith.constant 0 : i32
      %dma_start3A_160 = arith.constant 0 : i32
      %dma_start3A_161 = tpu.memref_slice %arg3[%add3A, %dma_start3A_159, %dma_start3A_160] : memref<32x80x128xi32, #tpu.memory_space<hbm>> -> memref<1x80x128xi32, #tpu.memory_space<hbm>>
      %dma_start3A_162 = tpu.memref_squeeze %dma_start3A_161 : memref<1x80x128xi32, #tpu.memory_space<hbm>> -> memref<80x128xi32, #tpu.memory_space<hbm>>
      tpu.enqueue_dma source(%dma_start3A_162 : memref<80x128xi32, #tpu.memory_space<hbm>>) target(%arg9 : memref<80x128xi32, #tpu.memory_space<vmem>>) target_semaphore(%run_scoped3A : memref<!tpu.dma_semaphore, #tpu.memory_space<semaphore_mem>>)
      %dma_wait3A_163 = arith.constant 0 : i32
      %dma_wait3A_164 = arith.constant 0 : i32
      %dma_wait3A_165 = tpu.memref_slice %arg3[%add3A, %dma_wait3A_163, %dma_wait3A_164] : memref<32x80x128xi32, #tpu.memory_space<hbm>> -> memref<1x80x128xi32, #tpu.memory_space<hbm>>
      %dma_wait3A_166 = tpu.memref_squeeze %dma_wait3A_165 : memref<1x80x128xi32, #tpu.memory_space<hbm>> -> memref<80x128xi32, #tpu.memory_space<hbm>>
      %dma_wait3A_167 = arith.constant 0 : i32
      %dma_wait3A_168 = arith.constant 0 : i32
      %dma_wait3A_169 = tpu.memref_slice %arg3[%add3A, %dma_wait3A_167, %dma_wait3A_168] : memref<32x80x128xi32, #tpu.memory_space<hbm>> -> memref<1x80x128xi32, #tpu.memory_space<hbm>>
      %dma_wait3A_170 = tpu.memref_squeeze %dma_wait3A_169 : memref<1x80x128xi32, #tpu.memory_space<hbm>> -> memref<80x128xi32, #tpu.memory_space<hbm>>
      tpu.wait_dma2 semaphore(%run_scoped3A : memref<!tpu.dma_semaphore, #tpu.memory_space<semaphore_mem>>) src(%dma_wait3A_170 : memref<80x128xi32, #tpu.memory_space<hbm>>) dst(%arg9 : memref<80x128xi32, #tpu.memory_space<vmem>>)
      tpu.yield
    }) : () -> ()
    %iota3A = tpu.iota {dimensions = array<i32: 0>} : vector<16xi32>
    %jit3A = arith.constant 2 : i32
    %div3A = vector.broadcast %jit3A : i32 to vector<16xi32>
    %div3A_3 = arith.divsi %iota3A, %div3A : vector<16xi32>
    %sign3A = arith.constant 0 : i32
    %sign3A_4 = vector.broadcast %sign3A : i32 to vector<16xi32>
    %sign3A_5 = arith.cmpi sgt, %iota3A, %sign3A_4 : vector<16xi32>
    %sign3A_6 = arith.extui %sign3A_5 : vector<16xi1> to vector<16xi32>
    %sign3A_7 = arith.constant 0 : i32
    %sign3A_8 = vector.broadcast %sign3A_7 : i32 to vector<16xi32>
    %sign3A_9 = arith.cmpi slt, %iota3A, %sign3A_8 : vector<16xi32>
    %sign3A_10 = arith.extui %sign3A_9 : vector<16xi1> to vector<16xi32>
    %sign3A_11 = arith.subi %sign3A_6, %sign3A_10 : vector<16xi32>
    %sign3A_12 = arith.constant 0 : i32
    %sign3A_13 = arith.cmpi sgt, %jit3A, %sign3A_12 : i32
    %sign3A_14 = arith.extui %sign3A_13 : i1 to i32
    %sign3A_15 = arith.constant 0 : i32
    %sign3A_16 = arith.cmpi slt, %jit3A, %sign3A_15 : i32
    %sign3A_17 = arith.extui %sign3A_16 : i1 to i32
    %sign3A_18 = arith.subi %sign3A_14, %sign3A_17 : i32
    %ne3A = vector.broadcast %sign3A_18 : i32 to vector<16xi32>
    %ne3A_19 = arith.cmpi ne, %sign3A_11, %ne3A : vector<16xi32>
    %rem3A = vector.broadcast %jit3A : i32 to vector<16xi32>
    %rem3A_20 = arith.remsi %iota3A, %rem3A : vector<16xi32>
    %ne3A_21 = arith.constant 0 : i32
    %ne3A_22 = vector.broadcast %ne3A_21 : i32 to vector<16xi32>
    %ne3A_23 = arith.cmpi ne, %rem3A_20, %ne3A_22 : vector<16xi32>
    %and3A = arith.andi %ne3A_19, %ne3A_23 : vector<16xi1>
    %sub3A = arith.constant 1 : i32
    %sub3A_24 = vector.broadcast %sub3A : i32 to vector<16xi32>
    %sub3A_25 = arith.subi %div3A_3, %sub3A_24 : vector<16xi32>
    %select_n3A = arith.select %and3A, %sub3A_25, %div3A_3 : vector<16xi1>, vector<16xi32>
    %jit3A_26 = arith.constant 2 : i32
    %eq3A = arith.constant 0 : i32
    %eq3A_27 = arith.cmpi eq, %jit3A_26, %eq3A : i32
    %jit3A_28 = arith.constant 1 : i32
    %select_n3A_29 = arith.select %eq3A_27, %jit3A_28, %jit3A_26 : i32
    %rem3A_30 = vector.broadcast %select_n3A_29 : i32 to vector<16xi32>
    %rem3A_31 = arith.remsi %iota3A, %rem3A_30 : vector<16xi32>
    %ne3A_32 = arith.constant 0 : i32
    %ne3A_33 = vector.broadcast %ne3A_32 : i32 to vector<16xi32>
    %ne3A_34 = arith.cmpi ne, %rem3A_31, %ne3A_33 : vector<16xi32>
    %lt3A = arith.constant 0 : i32
    %lt3A_35 = vector.broadcast %lt3A : i32 to vector<16xi32>
    %lt3A_36 = arith.cmpi slt, %rem3A_31, %lt3A_35 : vector<16xi32>
    %lt3A_37 = arith.constant 0 : i32
    %lt3A_38 = arith.cmpi slt, %select_n3A_29, %lt3A_37 : i32
    %ne3A_39 = vector.broadcast %lt3A_38 : i1 to vector<16xi1>
    %ne3A_40 = vector.broadcast %ne3A_39 : vector<16xi1> to vector<16xi1>
    %ne3A_41 = arith.xori %lt3A_36, %ne3A_40 : vector<16xi1>
    %and3A_42 = arith.andi %ne3A_41, %ne3A_34 : vector<16xi1>
    %add3A_43 = vector.broadcast %select_n3A_29 : i32 to vector<16xi32>
    %add3A_44 = arith.addi %rem3A_31, %add3A_43 : vector<16xi32>
    %select_n3A_45 = arith.select %and3A_42, %add3A_44, %rem3A_31 : vector<16xi1>, vector<16xi32>
    %mul3A_46 = arith.constant 64 : i32
    %mul3A_47 = vector.broadcast %mul3A_46 : i32 to vector<16xi32>
    %mul3A_48 = arith.muli %select_n3A_45, %mul3A_47 : vector<16xi32>
    %add3A_49 = arith.constant 0 : i32
    %add3A_50 = vector.broadcast %add3A_49 : i32 to vector<16xi32>
    %add3A_51 = arith.addi %add3A_50, %select_n3A : vector<16xi32>
    %add3A_52 = arith.constant 8 : i32
    %add3A_53 = vector.broadcast %add3A_52 : i32 to vector<16xi32>
    %add3A_54 = arith.addi %add3A_53, %select_n3A : vector<16xi32>
    %add3A_55 = arith.constant 16 : i32
    %add3A_56 = vector.broadcast %add3A_55 : i32 to vector<16xi32>
    %add3A_57 = arith.addi %add3A_56, %select_n3A : vector<16xi32>
    %add3A_58 = arith.constant 24 : i32
    %add3A_59 = vector.broadcast %add3A_58 : i32 to vector<16xi32>
    %add3A_60 = arith.addi %add3A_59, %select_n3A : vector<16xi32>
    %add3A_61 = arith.constant 32 : i32
    %add3A_62 = vector.broadcast %add3A_61 : i32 to vector<16xi32>
    %add3A_63 = arith.addi %add3A_62, %select_n3A : vector<16xi32>
    %add3A_64 = arith.constant 40 : i32
    %add3A_65 = vector.broadcast %add3A_64 : i32 to vector<16xi32>
    %add3A_66 = arith.addi %add3A_65, %select_n3A : vector<16xi32>
    %add3A_67 = arith.constant 48 : i32
    %add3A_68 = vector.broadcast %add3A_67 : i32 to vector<16xi32>
    %add3A_69 = arith.addi %add3A_68, %select_n3A : vector<16xi32>
    %add3A_70 = arith.constant 56 : i32
    %add3A_71 = vector.broadcast %add3A_70 : i32 to vector<16xi32>
    %add3A_72 = arith.addi %add3A_71, %select_n3A : vector<16xi32>
    %add3A_73 = arith.constant 0 : i32
    %add3A_74 = vector.broadcast %add3A_73 : i32 to vector<16xi32>
    %add3A_75 = arith.addi %add3A_74, %iota3A : vector<16xi32>
    %add3A_76 = arith.constant 16 : i32
    %add3A_77 = vector.broadcast %add3A_76 : i32 to vector<16xi32>
    %add3A_78 = arith.addi %add3A_77, %iota3A : vector<16xi32>
    %add3A_79 = arith.constant 32 : i32
    %add3A_80 = vector.broadcast %add3A_79 : i32 to vector<16xi32>
    %add3A_81 = arith.addi %add3A_80, %iota3A : vector<16xi32>
    %add3A_82 = arith.constant 48 : i32
    %add3A_83 = vector.broadcast %add3A_82 : i32 to vector<16xi32>
    %add3A_84 = arith.addi %add3A_83, %iota3A : vector<16xi32>
    %add3A_85 = arith.constant 64 : i32
    %add3A_86 = vector.broadcast %add3A_85 : i32 to vector<16xi32>
    %add3A_87 = arith.addi %add3A_86, %iota3A : vector<16xi32>
    %add3A_88 = arith.constant 80 : i32
    %add3A_89 = vector.broadcast %add3A_88 : i32 to vector<16xi32>
    %add3A_90 = arith.addi %add3A_89, %iota3A : vector<16xi32>
    %add3A_91 = arith.constant 96 : i32
    %add3A_92 = vector.broadcast %add3A_91 : i32 to vector<16xi32>
    %add3A_93 = arith.addi %add3A_92, %iota3A : vector<16xi32>
    %add3A_94 = arith.constant 112 : i32
    %add3A_95 = vector.broadcast %add3A_94 : i32 to vector<16xi32>
    %add3A_96 = arith.addi %add3A_95, %iota3A : vector<16xi32>
    %lt3A_97 = arith.constant 7812 : i32
    %lt3A_98 = arith.cmpi slt, %add3A, %lt3A_97 : i32
    %convert_element_type3A = arith.extui %lt3A_98 : i1 to i32
    %cond3A = arith.constant 0 : i32
    %cond3A_99 = arith.cmpi ne, %convert_element_type3A, %cond3A : i32
    scf.if %cond3A_99 {
      %mul3A_155 = arith.constant 128 : i32
      %mul3A_156 = arith.muli %add3A, %mul3A_155 : i32
      %dma_start3A_157 = arith.constant 0 : i32
      %dma_start3A_158 = tpu.memref_slice %arg4[%dma_start3A_157, %mul3A_156] : memref<64x1000000xf32, #tpu.memory_space<hbm>> -> memref<64x128xf32, #tpu.memory_space<hbm>>
      %dma_start3A_159 = arith.constant 0 : i32
      %dma_start3A_160 = tpu.memref_slice %arg4[%dma_start3A_159, %mul3A_156] : memref<64x1000000xf32, #tpu.memory_space<hbm>> -> memref<64x128xf32, #tpu.memory_space<hbm>>
      tpu.enqueue_dma source(%dma_start3A_160 : memref<64x128xf32, #tpu.memory_space<hbm>>) target(%arg10 : memref<64x128xf32, #tpu.memory_space<vmem>>) target_semaphore(%arg18 : memref<!tpu.dma_semaphore, #tpu.memory_space<semaphore_mem>>)
    } else {
    }
    %scan3A = arith.constant 0 : i32
    %scan3A_100 = arith.constant 0 : i32
    %scan3A_101 = arith.constant 123 : i32
    %scan3A_102 = arith.addi %scan3A_100, %scan3A_101 : i32
    %scan3A_103 = arith.constant 1 : i32
    scf.for %scan3A_155 = %scan3A_100 to %scan3A_102 step %scan3A_103  : i32 {
      %mul3A_156 = arith.constant 2 : i32
      %mul3A_157 = arith.muli %mul3A_156, %scan3A_155 : i32
      %add3A_158 = arith.constant 0 : i32
      %add3A_159 = arith.addi %mul3A_157, %add3A_158 : i32
      %mul3A_160 = arith.constant 32 : i32
      %mul3A_161 = arith.muli %add3A_159, %mul3A_160 : i32
      %add3A_162 = arith.addi %mul3A_161, %add3A : i32
      %add3A_163 = arith.constant 32 : i32
      %add3A_164 = arith.addi %add3A_162, %add3A_163 : i32
      %lt3A_165 = arith.constant 7812 : i32
      %lt3A_166 = arith.cmpi slt, %add3A_162, %lt3A_165 : i32
      %convert_element_type3A_167 = arith.extui %lt3A_166 : i1 to i32
      %cond3A_168 = arith.constant 0 : i32
      %cond3A_169 = arith.cmpi ne, %convert_element_type3A_167, %cond3A_168 : i32
      scf.if %cond3A_169 {
        %dma_wait3A_184 = arith.constant 0 : i32
        %dma_wait3A_185 = arith.constant 0 : i32
        %dma_wait3A_186 = tpu.memref_slice %arg4[%dma_wait3A_184, %dma_wait3A_185] : memref<64x1000000xf32, #tpu.memory_space<hbm>> -> memref<64x128xf32, #tpu.memory_space<hbm>>
        %dma_wait3A_187 = arith.constant 0 : i32
        %dma_wait3A_188 = arith.constant 0 : i32
        %dma_wait3A_189 = tpu.memref_slice %arg4[%dma_wait3A_187, %dma_wait3A_188] : memref<64x1000000xf32, #tpu.memory_space<hbm>> -> memref<64x128xf32, #tpu.memory_space<hbm>>
        tpu.wait_dma2 semaphore(%arg18 : memref<!tpu.dma_semaphore, #tpu.memory_space<semaphore_mem>>) src(%dma_wait3A_189 : memref<64x128xf32, #tpu.memory_space<hbm>>) dst(%arg10 : memref<64x128xf32, #tpu.memory_space<vmem>>)
        %lt3A_190 = arith.constant 7812 : i32
        %lt3A_191 = arith.cmpi slt, %add3A_164, %lt3A_190 : i32
        %convert_element_type3A_192 = arith.extui %lt3A_191 : i1 to i32
        %cond3A_193 = arith.constant 0 : i32
        %cond3A_194 = arith.cmpi ne, %convert_element_type3A_192, %cond3A_193 : i32
        scf.if %cond3A_194 {
          %mul3A_211 = arith.constant 128 : i32
          %mul3A_212 = arith.muli %add3A_164, %mul3A_211 : i32
          %dma_start3A_213 = arith.constant 0 : i32
          %dma_start3A_214 = tpu.memref_slice %arg4[%dma_start3A_213, %mul3A_212] : memref<64x1000000xf32, #tpu.memory_space<hbm>> -> memref<64x128xf32, #tpu.memory_space<hbm>>
          %dma_start3A_215 = arith.constant 0 : i32
          %dma_start3A_216 = tpu.memref_slice %arg4[%dma_start3A_215, %mul3A_212] : memref<64x1000000xf32, #tpu.memory_space<hbm>> -> memref<64x128xf32, #tpu.memory_space<hbm>>
          tpu.enqueue_dma source(%dma_start3A_216 : memref<64x128xf32, #tpu.memory_space<hbm>>) target(%arg11 : memref<64x128xf32, #tpu.memory_space<vmem>>) target_semaphore(%arg18 : memref<!tpu.dma_semaphore, #tpu.memory_space<semaphore_mem>>)
        } else {
        }
        %ge3A = arith.constant 2 : i32
        %ge3A_195 = arith.cmpi sge, %add3A_159, %ge3A : i32
        %convert_element_type3A_196 = arith.extui %ge3A_195 : i1 to i32
        %cond3A_197 = arith.constant 0 : i32
        %cond3A_198 = arith.cmpi ne, %convert_element_type3A_196, %cond3A_197 : i32
        scf.if %cond3A_198 {
          %dma_wait3A_211 = arith.constant 0 : i32
          %dma_wait3A_212 = arith.constant 0 : i32
          %dma_wait3A_213 = tpu.memref_slice %arg7[%dma_wait3A_211, %dma_wait3A_212] : memref<500000x128xf32, #tpu.memory_space<hbm>> -> memref<64x128xf32, #tpu.memory_space<hbm>>
          %dma_wait3A_214 = arith.constant 0 : i32
          %dma_wait3A_215 = arith.constant 0 : i32
          %dma_wait3A_216 = tpu.memref_slice %arg7[%dma_wait3A_214, %dma_wait3A_215] : memref<500000x128xf32, #tpu.memory_space<hbm>> -> memref<64x128xf32, #tpu.memory_space<hbm>>
          tpu.wait_dma2 semaphore(%arg19 : memref<!tpu.dma_semaphore, #tpu.memory_space<semaphore_mem>>) src(%arg12 : memref<64x128xf32, #tpu.memory_space<vmem>>) dst(%dma_wait3A_216 : memref<64x128xf32, #tpu.memory_space<hbm>>)
        } else {
        }
        %scan3A_199 = arith.constant 0 : i32
        %scan3A_200 = arith.constant 0 : i32
        %scan3A_201 = arith.constant 32 : i32
        %scan3A_202 = arith.addi %scan3A_200, %scan3A_201 : i32
        %scan3A_203 = arith.constant 1 : i32
        scf.for %scan3A_211 = %scan3A_200 to %scan3A_202 step %scan3A_203  : i32 {
          %mul3A_212 = arith.constant 2 : i32
          %mul3A_213 = arith.muli %mul3A_212, %scan3A_211 : i32
          %add3A_214 = arith.constant 0 : i32
          %add3A_215 = arith.addi %mul3A_213, %add3A_214 : i32
          %broadcast_in_dim3A = vector.broadcast %add3A_215 : i32 to vector<16xi32>
          %mul3A_216 = arith.constant 2 : i32
          %mul3A_217 = arith.muli %mul3A_216, %scan3A_211 : i32
          %add3A_218 = arith.constant 1 : i32
          %add3A_219 = arith.addi %mul3A_217, %add3A_218 : i32
          %broadcast_in_dim3A_220 = vector.broadcast %add3A_219 : i32 to vector<16xi32>
          %add3A_221 = arith.addi %broadcast_in_dim3A, %add3A_75 : vector<16xi32>
          %and3A_222 = arith.constant 63 : i32
          %and3A_223 = vector.broadcast %and3A_222 : i32 to vector<16xi32>
          %and3A_224 = arith.andi %add3A_221, %and3A_223 : vector<16xi32>
          %add3A_225 = arith.addi %mul3A_48, %and3A_224 : vector<16xi32>
          %add3A_226 = arith.addi %broadcast_in_dim3A, %add3A_78 : vector<16xi32>
          %and3A_227 = arith.constant 63 : i32
          %and3A_228 = vector.broadcast %and3A_227 : i32 to vector<16xi32>
          %and3A_229 = arith.andi %add3A_226, %and3A_228 : vector<16xi32>
          %add3A_230 = arith.addi %mul3A_48, %and3A_229 : vector<16xi32>
          %add3A_231 = arith.addi %broadcast_in_dim3A, %add3A_81 : vector<16xi32>
          %and3A_232 = arith.constant 63 : i32
          %and3A_233 = vector.broadcast %and3A_232 : i32 to vector<16xi32>
          %and3A_234 = arith.andi %add3A_231, %and3A_233 : vector<16xi32>
          %add3A_235 = arith.addi %mul3A_48, %and3A_234 : vector<16xi32>
          %add3A_236 = arith.addi %broadcast_in_dim3A, %add3A_84 : vector<16xi32>
          %and3A_237 = arith.constant 63 : i32
          %and3A_238 = vector.broadcast %and3A_237 : i32 to vector<16xi32>
          %and3A_239 = arith.andi %add3A_236, %and3A_238 : vector<16xi32>
          %add3A_240 = arith.addi %mul3A_48, %and3A_239 : vector<16xi32>
          %add3A_241 = arith.addi %broadcast_in_dim3A, %add3A_87 : vector<16xi32>
          %and3A_242 = arith.constant 63 : i32
          %and3A_243 = vector.broadcast %and3A_242 : i32 to vector<16xi32>
          %and3A_244 = arith.andi %add3A_241, %and3A_243 : vector<16xi32>
          %add3A_245 = arith.addi %mul3A_48, %and3A_244 : vector<16xi32>
          %add3A_246 = arith.addi %broadcast_in_dim3A, %add3A_90 : vector<16xi32>
          %and3A_247 = arith.constant 63 : i32
          %and3A_248 = vector.broadcast %and3A_247 : i32 to vector<16xi32>
          %and3A_249 = arith.andi %add3A_246, %and3A_248 : vector<16xi32>
          %add3A_250 = arith.addi %mul3A_48, %and3A_249 : vector<16xi32>
          %add3A_251 = arith.addi %broadcast_in_dim3A, %add3A_93 : vector<16xi32>
          %and3A_252 = arith.constant 63 : i32
          %and3A_253 = vector.broadcast %and3A_252 : i32 to vector<16xi32>
          %and3A_254 = arith.andi %add3A_251, %and3A_253 : vector<16xi32>
          %add3A_255 = arith.addi %mul3A_48, %and3A_254 : vector<16xi32>
          %add3A_256 = arith.addi %broadcast_in_dim3A, %add3A_96 : vector<16xi32>
          %and3A_257 = arith.constant 63 : i32
          %and3A_258 = vector.broadcast %and3A_257 : i32 to vector<16xi32>
          %and3A_259 = arith.andi %add3A_256, %and3A_258 : vector<16xi32>
          %add3A_260 = arith.addi %mul3A_48, %and3A_259 : vector<16xi32>
          %add3A_261 = arith.addi %broadcast_in_dim3A_220, %add3A_75 : vector<16xi32>
          %and3A_262 = arith.constant 63 : i32
          %and3A_263 = vector.broadcast %and3A_262 : i32 to vector<16xi32>
          %and3A_264 = arith.andi %add3A_261, %and3A_263 : vector<16xi32>
          %add3A_265 = arith.addi %mul3A_48, %and3A_264 : vector<16xi32>
          %add3A_266 = arith.addi %broadcast_in_dim3A_220, %add3A_78 : vector<16xi32>
          %and3A_267 = arith.constant 63 : i32
          %and3A_268 = vector.broadcast %and3A_267 : i32 to vector<16xi32>
          %and3A_269 = arith.andi %add3A_266, %and3A_268 : vector<16xi32>
          %add3A_270 = arith.addi %mul3A_48, %and3A_269 : vector<16xi32>
          %add3A_271 = arith.addi %broadcast_in_dim3A_220, %add3A_81 : vector<16xi32>
          %and3A_272 = arith.constant 63 : i32
          %and3A_273 = vector.broadcast %and3A_272 : i32 to vector<16xi32>
          %and3A_274 = arith.andi %add3A_271, %and3A_273 : vector<16xi32>
          %add3A_275 = arith.addi %mul3A_48, %and3A_274 : vector<16xi32>
          %add3A_276 = arith.addi %broadcast_in_dim3A_220, %add3A_84 : vector<16xi32>
          %and3A_277 = arith.constant 63 : i32
          %and3A_278 = vector.broadcast %and3A_277 : i32 to vector<16xi32>
          %and3A_279 = arith.andi %add3A_276, %and3A_278 : vector<16xi32>
          %add3A_280 = arith.addi %mul3A_48, %and3A_279 : vector<16xi32>
          %add3A_281 = arith.addi %broadcast_in_dim3A_220, %add3A_87 : vector<16xi32>
          %and3A_282 = arith.constant 63 : i32
          %and3A_283 = vector.broadcast %and3A_282 : i32 to vector<16xi32>
          %and3A_284 = arith.andi %add3A_281, %and3A_283 : vector<16xi32>
          %add3A_285 = arith.addi %mul3A_48, %and3A_284 : vector<16xi32>
          %add3A_286 = arith.addi %broadcast_in_dim3A_220, %add3A_90 : vector<16xi32>
          %and3A_287 = arith.constant 63 : i32
          %and3A_288 = vector.broadcast %and3A_287 : i32 to vector<16xi32>
          %and3A_289 = arith.andi %add3A_286, %and3A_288 : vector<16xi32>
          %add3A_290 = arith.addi %mul3A_48, %and3A_289 : vector<16xi32>
          %add3A_291 = arith.addi %broadcast_in_dim3A_220, %add3A_93 : vector<16xi32>
          %and3A_292 = arith.constant 63 : i32
          %and3A_293 = vector.broadcast %and3A_292 : i32 to vector<16xi32>
          %and3A_294 = arith.andi %add3A_291, %and3A_293 : vector<16xi32>
          %add3A_295 = arith.addi %mul3A_48, %and3A_294 : vector<16xi32>
          %add3A_296 = arith.addi %broadcast_in_dim3A_220, %add3A_96 : vector<16xi32>
          %and3A_297 = arith.constant 63 : i32
          %and3A_298 = vector.broadcast %and3A_297 : i32 to vector<16xi32>
          %and3A_299 = arith.andi %add3A_296, %and3A_298 : vector<16xi32>
          %add3A_300 = arith.addi %mul3A_48, %and3A_299 : vector<16xi32>
          %gather3A = tpu.vector_load_idx %arg10[%broadcast_in_dim3A, %add3A_75] : memref<64x128xf32, #tpu.memory_space<vmem>>[vector<16xi32>, vector<16xi32>], vector<16xf32>,
          %gather3A_301 = tpu.vector_load_idx %arg10[%broadcast_in_dim3A, %add3A_78] : memref<64x128xf32, #tpu.memory_space<vmem>>[vector<16xi32>, vector<16xi32>], vector<16xf32>,
          %gather3A_302 = tpu.vector_load_idx %arg10[%broadcast_in_dim3A, %add3A_81] : memref<64x128xf32, #tpu.memory_space<vmem>>[vector<16xi32>, vector<16xi32>], vector<16xf32>,
          %gather3A_303 = tpu.vector_load_idx %arg10[%broadcast_in_dim3A, %add3A_84] : memref<64x128xf32, #tpu.memory_space<vmem>>[vector<16xi32>, vector<16xi32>], vector<16xf32>,
          %gather3A_304 = tpu.vector_load_idx %arg10[%broadcast_in_dim3A, %add3A_87] : memref<64x128xf32, #tpu.memory_space<vmem>>[vector<16xi32>, vector<16xi32>], vector<16xf32>,
          %gather3A_305 = tpu.vector_load_idx %arg10[%broadcast_in_dim3A, %add3A_90] : memref<64x128xf32, #tpu.memory_space<vmem>>[vector<16xi32>, vector<16xi32>], vector<16xf32>,
          %gather3A_306 = tpu.vector_load_idx %arg10[%broadcast_in_dim3A, %add3A_93] : memref<64x128xf32, #tpu.memory_space<vmem>>[vector<16xi32>, vector<16xi32>], vector<16xf32>,
          %gather3A_307 = tpu.vector_load_idx %arg10[%broadcast_in_dim3A, %add3A_96] : memref<64x128xf32, #tpu.memory_space<vmem>>[vector<16xi32>, vector<16xi32>], vector<16xf32>,
          %gather3A_308 = tpu.vector_load_idx %arg10[%broadcast_in_dim3A_220, %add3A_75] : memref<64x128xf32, #tpu.memory_space<vmem>>[vector<16xi32>, vector<16xi32>], vector<16xf32>,
          %gather3A_309 = tpu.vector_load_idx %arg10[%broadcast_in_dim3A_220, %add3A_78] : memref<64x128xf32, #tpu.memory_space<vmem>>[vector<16xi32>, vector<16xi32>], vector<16xf32>,
          %gather3A_310 = tpu.vector_load_idx %arg10[%broadcast_in_dim3A_220, %add3A_81] : memref<64x128xf32, #tpu.memory_space<vmem>>[vector<16xi32>, vector<16xi32>], vector<16xf32>,
          %gather3A_311 = tpu.vector_load_idx %arg10[%broadcast_in_dim3A_220, %add3A_84] : memref<64x128xf32, #tpu.memory_space<vmem>>[vector<16xi32>, vector<16xi32>], vector<16xf32>,
          %gather3A_312 = tpu.vector_load_idx %arg10[%broadcast_in_dim3A_220, %add3A_87] : memref<64x128xf32, #tpu.memory_space<vmem>>[vector<16xi32>, vector<16xi32>], vector<16xf32>,
          %gather3A_313 = tpu.vector_load_idx %arg10[%broadcast_in_dim3A_220, %add3A_90] : memref<64x128xf32, #tpu.memory_space<vmem>>[vector<16xi32>, vector<16xi32>], vector<16xf32>,
          %gather3A_314 = tpu.vector_load_idx %arg10[%broadcast_in_dim3A_220, %add3A_93] : memref<64x128xf32, #tpu.memory_space<vmem>>[vector<16xi32>, vector<16xi32>], vector<16xf32>,
          %gather3A_315 = tpu.vector_load_idx %arg10[%broadcast_in_dim3A_220, %add3A_96] : memref<64x128xf32, #tpu.memory_space<vmem>>[vector<16xi32>, vector<16xi32>], vector<16xf32>,
          tpu.vector_store_idx %arg12[%add3A_51, %add3A_225], %gather3A : memref<64x128xf32, #tpu.memory_space<vmem>>[vector<16xi32>, vector<16xi32>], vector<16xf32>,
          tpu.vector_store_idx %arg12[%add3A_54, %add3A_230], %gather3A_301 : memref<64x128xf32, #tpu.memory_space<vmem>>[vector<16xi32>, vector<16xi32>], vector<16xf32>,
          tpu.vector_store_idx %arg12[%add3A_57, %add3A_235], %gather3A_302 : memref<64x128xf32, #tpu.memory_space<vmem>>[vector<16xi32>, vector<16xi32>], vector<16xf32>,
          tpu.vector_store_idx %arg12[%add3A_60, %add3A_240], %gather3A_303 : memref<64x128xf32, #tpu.memory_space<vmem>>[vector<16xi32>, vector<16xi32>], vector<16xf32>,
          tpu.vector_store_idx %arg12[%add3A_63, %add3A_245], %gather3A_304 : memref<64x128xf32, #tpu.memory_space<vmem>>[vector<16xi32>, vector<16xi32>], vector<16xf32>,
          tpu.vector_store_idx %arg12[%add3A_66, %add3A_250], %gather3A_305 : memref<64x128xf32, #tpu.memory_space<vmem>>[vector<16xi32>, vector<16xi32>], vector<16xf32>,
          tpu.vector_store_idx %arg12[%add3A_69, %add3A_255], %gather3A_306 : memref<64x128xf32, #tpu.memory_space<vmem>>[vector<16xi32>, vector<16xi32>], vector<16xf32>,
          tpu.vector_store_idx %arg12[%add3A_72, %add3A_260], %gather3A_307 : memref<64x128xf32, #tpu.memory_space<vmem>>[vector<16xi32>, vector<16xi32>], vector<16xf32>,
          tpu.vector_store_idx %arg12[%add3A_51, %add3A_265], %gather3A_308 : memref<64x128xf32, #tpu.memory_space<vmem>>[vector<16xi32>, vector<16xi32>], vector<16xf32>,
          tpu.vector_store_idx %arg12[%add3A_54, %add3A_270], %gather3A_309 : memref<64x128xf32, #tpu.memory_space<vmem>>[vector<16xi32>, vector<16xi32>], vector<16xf32>,
          tpu.vector_store_idx %arg12[%add3A_57, %add3A_275], %gather3A_310 : memref<64x128xf32, #tpu.memory_space<vmem>>[vector<16xi32>, vector<16xi32>], vector<16xf32>,
          tpu.vector_store_idx %arg12[%add3A_60, %add3A_280], %gather3A_311 : memref<64x128xf32, #tpu.memory_space<vmem>>[vector<16xi32>, vector<16xi32>], vector<16xf32>,
          tpu.vector_store_idx %arg12[%add3A_63, %add3A_285], %gather3A_312 : memref<64x128xf32, #tpu.memory_space<vmem>>[vector<16xi32>, vector<16xi32>], vector<16xf32>,
          tpu.vector_store_idx %arg12[%add3A_66, %add3A_290], %gather3A_313 : memref<64x128xf32, #tpu.memory_space<vmem>>[vector<16xi32>, vector<16xi32>], vector<16xf32>,
          tpu.vector_store_idx %arg12[%add3A_69, %add3A_295], %gather3A_314 : memref<64x128xf32, #tpu.memory_space<vmem>>[vector<16xi32>, vector<16xi32>], vector<16xf32>,
          tpu.vector_store_idx %arg12[%add3A_72, %add3A_300], %gather3A_315 : memref<64x128xf32, #tpu.memory_space<vmem>>[vector<16xi32>, vector<16xi32>], vector<16xf32>,
        }
        %scan3A_204 = arith.constant 32 : i32
        %mul3A_205 = arith.constant 64 : i32
        %mul3A_206 = arith.muli %add3A_162, %mul3A_205 : i32
        %dma_start3A_207 = arith.constant 0 : i32
        %dma_start3A_208 = tpu.memref_slice %arg7[%mul3A_206, %dma_start3A_207] : memref<500000x128xf32, #tpu.memory_space<hbm>> -> memref<64x128xf32, #tpu.memory_space<hbm>>
        %dma_start3A_209 = arith.constant 0 : i32
        %dma_start3A_210 = tpu.memref_slice %arg7[%mul3A_206, %dma_start3A_209] : memref<500000x128xf32, #tpu.memory_space<hbm>> -> memref<64x128xf32, #tpu.memory_space<hbm>>
        tpu.enqueue_dma source(%arg12 : memref<64x128xf32, #tpu.memory_space<vmem>>) target(%dma_start3A_210 : memref<64x128xf32, #tpu.memory_space<hbm>>) target_semaphore(%arg19 : memref<!tpu.dma_semaphore, #tpu.memory_space<semaphore_mem>>)
      } else {
      }
      %mul3A_170 = arith.constant 2 : i32
      %mul3A_171 = arith.muli %mul3A_170, %scan3A_155 : i32
      %add3A_172 = arith.constant 1 : i32
      %add3A_173 = arith.addi %mul3A_171, %add3A_172 : i32
      %mul3A_174 = arith.constant 32 : i32
      %mul3A_175 = arith.muli %add3A_173, %mul3A_174 : i32
      %add3A_176 = arith.addi %mul3A_175, %add3A : i32
      %add3A_177 = arith.constant 32 : i32
      %add3A_178 = arith.addi %add3A_176, %add3A_177 : i32
      %lt3A_179 = arith.constant 7812 : i32
      %lt3A_180 = arith.cmpi slt, %add3A_176, %lt3A_179 : i32
      %convert_element_type3A_181 = arith.extui %lt3A_180 : i1 to i32
      %cond3A_182 = arith.constant 0 : i32
      %cond3A_183 = arith.cmpi ne, %convert_element_type3A_181, %cond3A_182 : i32
      scf.if %cond3A_183 {
        %dma_wait3A_184 = arith.constant 0 : i32
        %dma_wait3A_185 = arith.constant 0 : i32
        %dma_wait3A_186 = tpu.memref_slice %arg4[%dma_wait3A_184, %dma_wait3A_185] : memref<64x1000000xf32, #tpu.memory_space<hbm>> -> memref<64x128xf32, #tpu.memory_space<hbm>>
        %dma_wait3A_187 = arith.constant 0 : i32
        %dma_wait3A_188 = arith.constant 0 : i32
        %dma_wait3A_189 = tpu.memref_slice %arg4[%dma_wait3A_187, %dma_wait3A_188] : memref<64x1000000xf32, #tpu.memory_space<hbm>> -> memref<64x128xf32, #tpu.memory_space<hbm>>
        tpu.wait_dma2 semaphore(%arg18 : memref<!tpu.dma_semaphore, #tpu.memory_space<semaphore_mem>>) src(%dma_wait3A_189 : memref<64x128xf32, #tpu.memory_space<hbm>>) dst(%arg11 : memref<64x128xf32, #tpu.memory_space<vmem>>)
        %lt3A_190 = arith.constant 7812 : i32
        %lt3A_191 = arith.cmpi slt, %add3A_178, %lt3A_190 : i32
        %convert_element_type3A_192 = arith.extui %lt3A_191 : i1 to i32
        %cond3A_193 = arith.constant 0 : i32
        %cond3A_194 = arith.cmpi ne, %convert_element_type3A_192, %cond3A_193 : i32
        scf.if %cond3A_194 {
          %mul3A_211 = arith.constant 128 : i32
          %mul3A_212 = arith.muli %add3A_178, %mul3A_211 : i32
          %dma_start3A_213 = arith.constant 0 : i32
          %dma_start3A_214 = tpu.memref_slice %arg4[%dma_start3A_213, %mul3A_212] : memref<64x1000000xf32, #tpu.memory_space<hbm>> -> memref<64x128xf32, #tpu.memory_space<hbm>>
          %dma_start3A_215 = arith.constant 0 : i32
          %dma_start3A_216 = tpu.memref_slice %arg4[%dma_start3A_215, %mul3A_212] : memref<64x1000000xf32, #tpu.memory_space<hbm>> -> memref<64x128xf32, #tpu.memory_space<hbm>>
          tpu.enqueue_dma source(%dma_start3A_216 : memref<64x128xf32, #tpu.memory_space<hbm>>) target(%arg10 : memref<64x128xf32, #tpu.memory_space<vmem>>) target_semaphore(%arg18 : memref<!tpu.dma_semaphore, #tpu.memory_space<semaphore_mem>>)
        } else {
        }
        %ge3A = arith.constant 2 : i32
        %ge3A_195 = arith.cmpi sge, %add3A_173, %ge3A : i32
        %convert_element_type3A_196 = arith.extui %ge3A_195 : i1 to i32
        %cond3A_197 = arith.constant 0 : i32
        %cond3A_198 = arith.cmpi ne, %convert_element_type3A_196, %cond3A_197 : i32
        scf.if %cond3A_198 {
          %dma_wait3A_211 = arith.constant 0 : i32
          %dma_wait3A_212 = arith.constant 0 : i32
          %dma_wait3A_213 = tpu.memref_slice %arg7[%dma_wait3A_211, %dma_wait3A_212] : memref<500000x128xf32, #tpu.memory_space<hbm>> -> memref<64x128xf32, #tpu.memory_space<hbm>>
          %dma_wait3A_214 = arith.constant 0 : i32
          %dma_wait3A_215 = arith.constant 0 : i32
          %dma_wait3A_216 = tpu.memref_slice %arg7[%dma_wait3A_214, %dma_wait3A_215] : memref<500000x128xf32, #tpu.memory_space<hbm>> -> memref<64x128xf32, #tpu.memory_space<hbm>>
          tpu.wait_dma2 semaphore(%arg19 : memref<!tpu.dma_semaphore, #tpu.memory_space<semaphore_mem>>) src(%arg13 : memref<64x128xf32, #tpu.memory_space<vmem>>) dst(%dma_wait3A_216 : memref<64x128xf32, #tpu.memory_space<hbm>>)
        } else {
        }
        %scan3A_199 = arith.constant 0 : i32
        %scan3A_200 = arith.constant 0 : i32
        %scan3A_201 = arith.constant 32 : i32
        %scan3A_202 = arith.addi %scan3A_200, %scan3A_201 : i32
        %scan3A_203 = arith.constant 1 : i32
        scf.for %scan3A_211 = %scan3A_200 to %scan3A_202 step %scan3A_203  : i32 {
          %mul3A_212 = arith.constant 2 : i32
          %mul3A_213 = arith.muli %mul3A_212, %scan3A_211 : i32
          %add3A_214 = arith.constant 0 : i32
          %add3A_215 = arith.addi %mul3A_213, %add3A_214 : i32
          %broadcast_in_dim3A = vector.broadcast %add3A_215 : i32 to vector<16xi32>
          %mul3A_216 = arith.constant 2 : i32
          %mul3A_217 = arith.muli %mul3A_216, %scan3A_211 : i32
          %add3A_218 = arith.constant 1 : i32
          %add3A_219 = arith.addi %mul3A_217, %add3A_218 : i32
          %broadcast_in_dim3A_220 = vector.broadcast %add3A_219 : i32 to vector<16xi32>
          %add3A_221 = arith.addi %broadcast_in_dim3A, %add3A_75 : vector<16xi32>
          %and3A_222 = arith.constant 63 : i32
          %and3A_223 = vector.broadcast %and3A_222 : i32 to vector<16xi32>
          %and3A_224 = arith.andi %add3A_221, %and3A_223 : vector<16xi32>
          %add3A_225 = arith.addi %mul3A_48, %and3A_224 : vector<16xi32>
          %add3A_226 = arith.addi %broadcast_in_dim3A, %add3A_78 : vector<16xi32>
          %and3A_227 = arith.constant 63 : i32
          %and3A_228 = vector.broadcast %and3A_227 : i32 to vector<16xi32>
          %and3A_229 = arith.andi %add3A_226, %and3A_228 : vector<16xi32>
          %add3A_230 = arith.addi %mul3A_48, %and3A_229 : vector<16xi32>
          %add3A_231 = arith.addi %broadcast_in_dim3A, %add3A_81 : vector<16xi32>
          %and3A_232 = arith.constant 63 : i32
          %and3A_233 = vector.broadcast %and3A_232 : i32 to vector<16xi32>
          %and3A_234 = arith.andi %add3A_231, %and3A_233 : vector<16xi32>
          %add3A_235 = arith.addi %mul3A_48, %and3A_234 : vector<16xi32>
          %add3A_236 = arith.addi %broadcast_in_dim3A, %add3A_84 : vector<16xi32>
          %and3A_237 = arith.constant 63 : i32
          %and3A_238 = vector.broadcast %and3A_237 : i32 to vector<16xi32>
          %and3A_239 = arith.andi %add3A_236, %and3A_238 : vector<16xi32>
          %add3A_240 = arith.addi %mul3A_48, %and3A_239 : vector<16xi32>
          %add3A_241 = arith.addi %broadcast_in_dim3A, %add3A_87 : vector<16xi32>
          %and3A_242 = arith.constant 63 : i32
          %and3A_243 = vector.broadcast %and3A_242 : i32 to vector<16xi32>
          %and3A_244 = arith.andi %add3A_241, %and3A_243 : vector<16xi32>
          %add3A_245 = arith.addi %mul3A_48, %and3A_244 : vector<16xi32>
          %add3A_246 = arith.addi %broadcast_in_dim3A, %add3A_90 : vector<16xi32>
          %and3A_247 = arith.constant 63 : i32
          %and3A_248 = vector.broadcast %and3A_247 : i32 to vector<16xi32>
          %and3A_249 = arith.andi %add3A_246, %and3A_248 : vector<16xi32>
          %add3A_250 = arith.addi %mul3A_48, %and3A_249 : vector<16xi32>
          %add3A_251 = arith.addi %broadcast_in_dim3A, %add3A_93 : vector<16xi32>
          %and3A_252 = arith.constant 63 : i32
          %and3A_253 = vector.broadcast %and3A_252 : i32 to vector<16xi32>
          %and3A_254 = arith.andi %add3A_251, %and3A_253 : vector<16xi32>
          %add3A_255 = arith.addi %mul3A_48, %and3A_254 : vector<16xi32>
          %add3A_256 = arith.addi %broadcast_in_dim3A, %add3A_96 : vector<16xi32>
          %and3A_257 = arith.constant 63 : i32
          %and3A_258 = vector.broadcast %and3A_257 : i32 to vector<16xi32>
          %and3A_259 = arith.andi %add3A_256, %and3A_258 : vector<16xi32>
          %add3A_260 = arith.addi %mul3A_48, %and3A_259 : vector<16xi32>
          %add3A_261 = arith.addi %broadcast_in_dim3A_220, %add3A_75 : vector<16xi32>
          %and3A_262 = arith.constant 63 : i32
          %and3A_263 = vector.broadcast %and3A_262 : i32 to vector<16xi32>
          %and3A_264 = arith.andi %add3A_261, %and3A_263 : vector<16xi32>
          %add3A_265 = arith.addi %mul3A_48, %and3A_264 : vector<16xi32>
          %add3A_266 = arith.addi %broadcast_in_dim3A_220, %add3A_78 : vector<16xi32>
          %and3A_267 = arith.constant 63 : i32
          %and3A_268 = vector.broadcast %and3A_267 : i32 to vector<16xi32>
          %and3A_269 = arith.andi %add3A_266, %and3A_268 : vector<16xi32>
          %add3A_270 = arith.addi %mul3A_48, %and3A_269 : vector<16xi32>
          %add3A_271 = arith.addi %broadcast_in_dim3A_220, %add3A_81 : vector<16xi32>
          %and3A_272 = arith.constant 63 : i32
          %and3A_273 = vector.broadcast %and3A_272 : i32 to vector<16xi32>
          %and3A_274 = arith.andi %add3A_271, %and3A_273 : vector<16xi32>
          %add3A_275 = arith.addi %mul3A_48, %and3A_274 : vector<16xi32>
          %add3A_276 = arith.addi %broadcast_in_dim3A_220, %add3A_84 : vector<16xi32>
          %and3A_277 = arith.constant 63 : i32
          %and3A_278 = vector.broadcast %and3A_277 : i32 to vector<16xi32>
          %and3A_279 = arith.andi %add3A_276, %and3A_278 : vector<16xi32>
          %add3A_280 = arith.addi %mul3A_48, %and3A_279 : vector<16xi32>
          %add3A_281 = arith.addi %broadcast_in_dim3A_220, %add3A_87 : vector<16xi32>
          %and3A_282 = arith.constant 63 : i32
          %and3A_283 = vector.broadcast %and3A_282 : i32 to vector<16xi32>
          %and3A_284 = arith.andi %add3A_281, %and3A_283 : vector<16xi32>
          %add3A_285 = arith.addi %mul3A_48, %and3A_284 : vector<16xi32>
          %add3A_286 = arith.addi %broadcast_in_dim3A_220, %add3A_90 : vector<16xi32>
          %and3A_287 = arith.constant 63 : i32
          %and3A_288 = vector.broadcast %and3A_287 : i32 to vector<16xi32>
          %and3A_289 = arith.andi %add3A_286, %and3A_288 : vector<16xi32>
          %add3A_290 = arith.addi %mul3A_48, %and3A_289 : vector<16xi32>
          %add3A_291 = arith.addi %broadcast_in_dim3A_220, %add3A_93 : vector<16xi32>
          %and3A_292 = arith.constant 63 : i32
          %and3A_293 = vector.broadcast %and3A_292 : i32 to vector<16xi32>
          %and3A_294 = arith.andi %add3A_291, %and3A_293 : vector<16xi32>
          %add3A_295 = arith.addi %mul3A_48, %and3A_294 : vector<16xi32>
          %add3A_296 = arith.addi %broadcast_in_dim3A_220, %add3A_96 : vector<16xi32>
          %and3A_297 = arith.constant 63 : i32
          %and3A_298 = vector.broadcast %and3A_297 : i32 to vector<16xi32>
          %and3A_299 = arith.andi %add3A_296, %and3A_298 : vector<16xi32>
          %add3A_300 = arith.addi %mul3A_48, %and3A_299 : vector<16xi32>
          %gather3A = tpu.vector_load_idx %arg11[%broadcast_in_dim3A, %add3A_75] : memref<64x128xf32, #tpu.memory_space<vmem>>[vector<16xi32>, vector<16xi32>], vector<16xf32>,
          %gather3A_301 = tpu.vector_load_idx %arg11[%broadcast_in_dim3A, %add3A_78] : memref<64x128xf32, #tpu.memory_space<vmem>>[vector<16xi32>, vector<16xi32>], vector<16xf32>,
          %gather3A_302 = tpu.vector_load_idx %arg11[%broadcast_in_dim3A, %add3A_81] : memref<64x128xf32, #tpu.memory_space<vmem>>[vector<16xi32>, vector<16xi32>], vector<16xf32>,
          %gather3A_303 = tpu.vector_load_idx %arg11[%broadcast_in_dim3A, %add3A_84] : memref<64x128xf32, #tpu.memory_space<vmem>>[vector<16xi32>, vector<16xi32>], vector<16xf32>,
          %gather3A_304 = tpu.vector_load_idx %arg11[%broadcast_in_dim3A, %add3A_87] : memref<64x128xf32, #tpu.memory_space<vmem>>[vector<16xi32>, vector<16xi32>], vector<16xf32>,
          %gather3A_305 = tpu.vector_load_idx %arg11[%broadcast_in_dim3A, %add3A_90] : memref<64x128xf32, #tpu.memory_space<vmem>>[vector<16xi32>, vector<16xi32>], vector<16xf32>,
          %gather3A_306 = tpu.vector_load_idx %arg11[%broadcast_in_dim3A, %add3A_93] : memref<64x128xf32, #tpu.memory_space<vmem>>[vector<16xi32>, vector<16xi32>], vector<16xf32>,
          %gather3A_307 = tpu.vector_load_idx %arg11[%broadcast_in_dim3A, %add3A_96] : memref<64x128xf32, #tpu.memory_space<vmem>>[vector<16xi32>, vector<16xi32>], vector<16xf32>,
          %gather3A_308 = tpu.vector_load_idx %arg11[%broadcast_in_dim3A_220, %add3A_75] : memref<64x128xf32, #tpu.memory_space<vmem>>[vector<16xi32>, vector<16xi32>], vector<16xf32>,
          %gather3A_309 = tpu.vector_load_idx %arg11[%broadcast_in_dim3A_220, %add3A_78] : memref<64x128xf32, #tpu.memory_space<vmem>>[vector<16xi32>, vector<16xi32>], vector<16xf32>,
          %gather3A_310 = tpu.vector_load_idx %arg11[%broadcast_in_dim3A_220, %add3A_81] : memref<64x128xf32, #tpu.memory_space<vmem>>[vector<16xi32>, vector<16xi32>], vector<16xf32>,
          %gather3A_311 = tpu.vector_load_idx %arg11[%broadcast_in_dim3A_220, %add3A_84] : memref<64x128xf32, #tpu.memory_space<vmem>>[vector<16xi32>, vector<16xi32>], vector<16xf32>,
          %gather3A_312 = tpu.vector_load_idx %arg11[%broadcast_in_dim3A_220, %add3A_87] : memref<64x128xf32, #tpu.memory_space<vmem>>[vector<16xi32>, vector<16xi32>], vector<16xf32>,
          %gather3A_313 = tpu.vector_load_idx %arg11[%broadcast_in_dim3A_220, %add3A_90] : memref<64x128xf32, #tpu.memory_space<vmem>>[vector<16xi32>, vector<16xi32>], vector<16xf32>,
          %gather3A_314 = tpu.vector_load_idx %arg11[%broadcast_in_dim3A_220, %add3A_93] : memref<64x128xf32, #tpu.memory_space<vmem>>[vector<16xi32>, vector<16xi32>], vector<16xf32>,
          %gather3A_315 = tpu.vector_load_idx %arg11[%broadcast_in_dim3A_220, %add3A_96] : memref<64x128xf32, #tpu.memory_space<vmem>>[vector<16xi32>, vector<16xi32>], vector<16xf32>,
          tpu.vector_store_idx %arg13[%add3A_51, %add3A_225], %gather3A : memref<64x128xf32, #tpu.memory_space<vmem>>[vector<16xi32>, vector<16xi32>], vector<16xf32>,
          tpu.vector_store_idx %arg13[%add3A_54, %add3A_230], %gather3A_301 : memref<64x128xf32, #tpu.memory_space<vmem>>[vector<16xi32>, vector<16xi32>], vector<16xf32>,
          tpu.vector_store_idx %arg13[%add3A_57, %add3A_235], %gather3A_302 : memref<64x128xf32, #tpu.memory_space<vmem>>[vector<16xi32>, vector<16xi32>], vector<16xf32>,
          tpu.vector_store_idx %arg13[%add3A_60, %add3A_240], %gather3A_303 : memref<64x128xf32, #tpu.memory_space<vmem>>[vector<16xi32>, vector<16xi32>], vector<16xf32>,
          tpu.vector_store_idx %arg13[%add3A_63, %add3A_245], %gather3A_304 : memref<64x128xf32, #tpu.memory_space<vmem>>[vector<16xi32>, vector<16xi32>], vector<16xf32>,
          tpu.vector_store_idx %arg13[%add3A_66, %add3A_250], %gather3A_305 : memref<64x128xf32, #tpu.memory_space<vmem>>[vector<16xi32>, vector<16xi32>], vector<16xf32>,
          tpu.vector_store_idx %arg13[%add3A_69, %add3A_255], %gather3A_306 : memref<64x128xf32, #tpu.memory_space<vmem>>[vector<16xi32>, vector<16xi32>], vector<16xf32>,
          tpu.vector_store_idx %arg13[%add3A_72, %add3A_260], %gather3A_307 : memref<64x128xf32, #tpu.memory_space<vmem>>[vector<16xi32>, vector<16xi32>], vector<16xf32>,
          tpu.vector_store_idx %arg13[%add3A_51, %add3A_265], %gather3A_308 : memref<64x128xf32, #tpu.memory_space<vmem>>[vector<16xi32>, vector<16xi32>], vector<16xf32>,
          tpu.vector_store_idx %arg13[%add3A_54, %add3A_270], %gather3A_309 : memref<64x128xf32, #tpu.memory_space<vmem>>[vector<16xi32>, vector<16xi32>], vector<16xf32>,
          tpu.vector_store_idx %arg13[%add3A_57, %add3A_275], %gather3A_310 : memref<64x128xf32, #tpu.memory_space<vmem>>[vector<16xi32>, vector<16xi32>], vector<16xf32>,
          tpu.vector_store_idx %arg13[%add3A_60, %add3A_280], %gather3A_311 : memref<64x128xf32, #tpu.memory_space<vmem>>[vector<16xi32>, vector<16xi32>], vector<16xf32>,
          tpu.vector_store_idx %arg13[%add3A_63, %add3A_285], %gather3A_312 : memref<64x128xf32, #tpu.memory_space<vmem>>[vector<16xi32>, vector<16xi32>], vector<16xf32>,
          tpu.vector_store_idx %arg13[%add3A_66, %add3A_290], %gather3A_313 : memref<64x128xf32, #tpu.memory_space<vmem>>[vector<16xi32>, vector<16xi32>], vector<16xf32>,
          tpu.vector_store_idx %arg13[%add3A_69, %add3A_295], %gather3A_314 : memref<64x128xf32, #tpu.memory_space<vmem>>[vector<16xi32>, vector<16xi32>], vector<16xf32>,
          tpu.vector_store_idx %arg13[%add3A_72, %add3A_300], %gather3A_315 : memref<64x128xf32, #tpu.memory_space<vmem>>[vector<16xi32>, vector<16xi32>], vector<16xf32>,
        }
        %scan3A_204 = arith.constant 32 : i32
        %mul3A_205 = arith.constant 64 : i32
        %mul3A_206 = arith.muli %add3A_176, %mul3A_205 : i32
        %dma_start3A_207 = arith.constant 0 : i32
        %dma_start3A_208 = tpu.memref_slice %arg7[%mul3A_206, %dma_start3A_207] : memref<500000x128xf32, #tpu.memory_space<hbm>> -> memref<64x128xf32, #tpu.memory_space<hbm>>
        %dma_start3A_209 = arith.constant 0 : i32
        %dma_start3A_210 = tpu.memref_slice %arg7[%mul3A_206, %dma_start3A_209] : memref<500000x128xf32, #tpu.memory_space<hbm>> -> memref<64x128xf32, #tpu.memory_space<hbm>>
        tpu.enqueue_dma source(%arg13 : memref<64x128xf32, #tpu.memory_space<vmem>>) target(%dma_start3A_210 : memref<64x128xf32, #tpu.memory_space<hbm>>) target_semaphore(%arg19 : memref<!tpu.dma_semaphore, #tpu.memory_space<semaphore_mem>>)
      } else {
      }
    }
    %scan3A_104 = arith.constant 123 : i32
    %lt3A_105 = arith.constant 4 : i32
    %lt3A_106 = arith.cmpi slt, %add3A, %lt3A_105 : i32
    %select_n3A_107 = arith.constant 244 : i32
    %select_n3A_108 = arith.constant 245 : i32
    %select_n3A_109 = arith.select %lt3A_106, %select_n3A_108, %select_n3A_107 : i32
    %scan3A_110 = arith.constant 0 : i32
    %scan3A_111 = arith.constant 0 : i32
    %scan3A_112 = arith.constant 2 : i32
    %scan3A_113 = arith.addi %scan3A_111, %scan3A_112 : i32
    %scan3A_114 = arith.constant 1 : i32
    scf.for %scan3A_155 = %scan3A_111 to %scan3A_113 step %scan3A_114  : i32 {
      %min3A = arith.constant 2 : i32
      %min3A_156 = arith.minsi %select_n3A_109, %min3A : i32
      %lt3A_157 = arith.cmpi slt, %scan3A_155, %min3A_156 : i32
      %convert_element_type3A_158 = arith.extui %lt3A_157 : i1 to i32
      %cond3A_159 = arith.constant 0 : i32
      %cond3A_160 = arith.cmpi ne, %convert_element_type3A_158, %cond3A_159 : i32
      scf.if %cond3A_160 {
        %dma_wait3A_161 = arith.constant 0 : i32
        %dma_wait3A_162 = arith.constant 0 : i32
        %dma_wait3A_163 = tpu.memref_slice %arg7[%dma_wait3A_161, %dma_wait3A_162] : memref<500000x128xf32, #tpu.memory_space<hbm>> -> memref<64x128xf32, #tpu.memory_space<hbm>>
        %dma_wait3A_164 = arith.constant 0 : i32
        %dma_wait3A_165 = arith.constant 0 : i32
        %dma_wait3A_166 = tpu.memref_slice %arg7[%dma_wait3A_164, %dma_wait3A_165] : memref<500000x128xf32, #tpu.memory_space<hbm>> -> memref<64x128xf32, #tpu.memory_space<hbm>>
        tpu.wait_dma2 semaphore(%arg19 : memref<!tpu.dma_semaphore, #tpu.memory_space<semaphore_mem>>) src(%arg12 : memref<64x128xf32, #tpu.memory_space<vmem>>) dst(%dma_wait3A_166 : memref<64x128xf32, #tpu.memory_space<hbm>>)
      } else {
      }
    }
    %scan3A_115 = arith.constant 2 : i32
    %eq3A_116 = arith.constant 4 : i32
    %eq3A_117 = arith.cmpi eq, %add3A, %eq3A_116 : i32
    %convert_element_type3A_118 = arith.extui %eq3A_117 : i1 to i32
    %cond3A_119 = arith.constant 0 : i32
    %cond3A_120 = arith.cmpi ne, %convert_element_type3A_118, %cond3A_119 : i32
    scf.if %cond3A_120 {
      "tpu.region"() ({
        %run_scoped3A = tpu.sem_alloc : memref<!tpu.dma_semaphore, #tpu.memory_space<semaphore_mem>>
        %dma_start3A_161 = arith.constant 0 : i32
        %dma_start3A_162 = arith.constant 0 : i32
        %dma_start3A_163 = tpu.memref_slice %arg10[%dma_start3A_161, %dma_start3A_162] : memref<64x128xf32, #tpu.memory_space<vmem>> -> memref<32x128xf32, #tpu.memory_space<vmem>>
        %dma_start3A_164 = arith.constant 0 : i32
        %dma_start3A_165 = arith.constant 0 : i32
        %dma_start3A_166 = tpu.memref_slice %arg10[%dma_start3A_164, %dma_start3A_165] : memref<64x128xf32, #tpu.memory_space<vmem>> -> memref<32x128xf32, #tpu.memory_space<vmem>>
        tpu.enqueue_dma source(%arg5 : memref<32x128xf32, #tpu.memory_space<hbm>>) target(%dma_start3A_166 : memref<32x128xf32, #tpu.memory_space<vmem>>) target_semaphore(%run_scoped3A : memref<!tpu.dma_semaphore, #tpu.memory_space<semaphore_mem>>)
        %dma_wait3A_167 = arith.constant 0 : i32
        %dma_wait3A_168 = arith.constant 0 : i32
        %dma_wait3A_169 = tpu.memref_slice %arg10[%dma_wait3A_167, %dma_wait3A_168] : memref<64x128xf32, #tpu.memory_space<vmem>> -> memref<32x128xf32, #tpu.memory_space<vmem>>
        %dma_wait3A_170 = arith.constant 0 : i32
        %dma_wait3A_171 = arith.constant 0 : i32
        %dma_wait3A_172 = tpu.memref_slice %arg10[%dma_wait3A_170, %dma_wait3A_171] : memref<64x128xf32, #tpu.memory_space<vmem>> -> memref<32x128xf32, #tpu.memory_space<vmem>>
        tpu.wait_dma2 semaphore(%run_scoped3A : memref<!tpu.dma_semaphore, #tpu.memory_space<semaphore_mem>>) src(%arg5 : memref<32x128xf32, #tpu.memory_space<hbm>>) dst(%dma_wait3A_172 : memref<32x128xf32, #tpu.memory_space<vmem>>)
        tpu.yield
      }) : () -> ()
      %scan3A_155 = arith.constant 0 : i32
      %scan3A_156 = arith.constant 0 : i32
      %scan3A_157 = arith.constant 64 : i32
      %scan3A_158 = arith.addi %scan3A_156, %scan3A_157 : i32
      %scan3A_159 = arith.constant 1 : i32
      scf.for %scan3A_161 = %scan3A_156 to %scan3A_158 step %scan3A_159  : i32 {
        %broadcast_in_dim3A = vector.broadcast %scan3A_161 : i32 to vector<16xi32>
        %add3A_162 = vector.broadcast %scan3A_161 : i32 to vector<16xi32>
        %add3A_163 = arith.addi %mul3A_48, %add3A_162 : vector<16xi32>
        %gather3A = tpu.vector_load_idx %arg10[%add3A_51, %add3A_163] : memref<64x128xf32, #tpu.memory_space<vmem>>[vector<16xi32>, vector<16xi32>], vector<16xf32>,
        %add3A_164 = arith.addi %broadcast_in_dim3A, %add3A_75 : vector<16xi32>
        %and3A_165 = arith.constant 63 : i32
        %and3A_166 = vector.broadcast %and3A_165 : i32 to vector<16xi32>
        %and3A_167 = arith.andi %add3A_164, %and3A_166 : vector<16xi32>
        %add3A_168 = arith.addi %mul3A_48, %and3A_167 : vector<16xi32>
        tpu.vector_store_idx %arg12[%add3A_51, %add3A_168], %gather3A : memref<64x128xf32, #tpu.memory_space<vmem>>[vector<16xi32>, vector<16xi32>], vector<16xf32>,
        %add3A_169 = vector.broadcast %scan3A_161 : i32 to vector<16xi32>
        %add3A_170 = arith.addi %mul3A_48, %add3A_169 : vector<16xi32>
        %gather3A_171 = tpu.vector_load_idx %arg10[%add3A_54, %add3A_170] : memref<64x128xf32, #tpu.memory_space<vmem>>[vector<16xi32>, vector<16xi32>], vector<16xf32>,
        %add3A_172 = arith.addi %broadcast_in_dim3A, %add3A_78 : vector<16xi32>
        %and3A_173 = arith.constant 63 : i32
        %and3A_174 = vector.broadcast %and3A_173 : i32 to vector<16xi32>
        %and3A_175 = arith.andi %add3A_172, %and3A_174 : vector<16xi32>
        %add3A_176 = arith.addi %mul3A_48, %and3A_175 : vector<16xi32>
        tpu.vector_store_idx %arg12[%add3A_54, %add3A_176], %gather3A_171 : memref<64x128xf32, #tpu.memory_space<vmem>>[vector<16xi32>, vector<16xi32>], vector<16xf32>,
        %add3A_177 = vector.broadcast %scan3A_161 : i32 to vector<16xi32>
        %add3A_178 = arith.addi %mul3A_48, %add3A_177 : vector<16xi32>
        %gather3A_179 = tpu.vector_load_idx %arg10[%add3A_57, %add3A_178] : memref<64x128xf32, #tpu.memory_space<vmem>>[vector<16xi32>, vector<16xi32>], vector<16xf32>,
        %add3A_180 = arith.addi %broadcast_in_dim3A, %add3A_81 : vector<16xi32>
        %and3A_181 = arith.constant 63 : i32
        %and3A_182 = vector.broadcast %and3A_181 : i32 to vector<16xi32>
        %and3A_183 = arith.andi %add3A_180, %and3A_182 : vector<16xi32>
        %add3A_184 = arith.addi %mul3A_48, %and3A_183 : vector<16xi32>
        tpu.vector_store_idx %arg12[%add3A_57, %add3A_184], %gather3A_179 : memref<64x128xf32, #tpu.memory_space<vmem>>[vector<16xi32>, vector<16xi32>], vector<16xf32>,
        %add3A_185 = vector.broadcast %scan3A_161 : i32 to vector<16xi32>
        %add3A_186 = arith.addi %mul3A_48, %add3A_185 : vector<16xi32>
        %gather3A_187 = tpu.vector_load_idx %arg10[%add3A_60, %add3A_186] : memref<64x128xf32, #tpu.memory_space<vmem>>[vector<16xi32>, vector<16xi32>], vector<16xf32>,
        %add3A_188 = arith.addi %broadcast_in_dim3A, %add3A_84 : vector<16xi32>
        %and3A_189 = arith.constant 63 : i32
        %and3A_190 = vector.broadcast %and3A_189 : i32 to vector<16xi32>
        %and3A_191 = arith.andi %add3A_188, %and3A_190 : vector<16xi32>
        %add3A_192 = arith.addi %mul3A_48, %and3A_191 : vector<16xi32>
        tpu.vector_store_idx %arg12[%add3A_60, %add3A_192], %gather3A_187 : memref<64x128xf32, #tpu.memory_space<vmem>>[vector<16xi32>, vector<16xi32>], vector<16xf32>,
      }
      %scan3A_160 = arith.constant 64 : i32
      "tpu.region"() ({
        %run_scoped3A = tpu.sem_alloc : memref<!tpu.dma_semaphore, #tpu.memory_space<semaphore_mem>>
        %dma_start3A_161 = arith.constant 0 : i32
        %dma_start3A_162 = arith.constant 0 : i32
        %dma_start3A_163 = tpu.memref_slice %arg12[%dma_start3A_161, %dma_start3A_162] : memref<64x128xf32, #tpu.memory_space<vmem>> -> memref<32x128xf32, #tpu.memory_space<vmem>>
        %dma_start3A_164 = arith.constant 499968 : i32
        %dma_start3A_165 = arith.constant 0 : i32
        %dma_start3A_166 = tpu.memref_slice %arg7[%dma_start3A_164, %dma_start3A_165] : memref<500000x128xf32, #tpu.memory_space<hbm>> -> memref<32x128xf32, #tpu.memory_space<hbm>>
        %dma_start3A_167 = arith.constant 499968 : i32
        %dma_start3A_168 = arith.constant 0 : i32
        %dma_start3A_169 = tpu.memref_slice %arg7[%dma_start3A_167, %dma_start3A_168] : memref<500000x128xf32, #tpu.memory_space<hbm>> -> memref<32x128xf32, #tpu.memory_space<hbm>>
        %dma_start3A_170 = arith.constant 0 : i32
        %dma_start3A_171 = arith.constant 0 : i32
        %dma_start3A_172 = tpu.memref_slice %arg12[%dma_start3A_170, %dma_start3A_171] : memref<64x128xf32, #tpu.memory_space<vmem>> -> memref<32x128xf32, #tpu.memory_space<vmem>>
        tpu.enqueue_dma source(%dma_start3A_172 : memref<32x128xf32, #tpu.memory_space<vmem>>) target(%dma_start3A_169 : memref<32x128xf32, #tpu.memory_space<hbm>>) target_semaphore(%run_scoped3A : memref<!tpu.dma_semaphore, #tpu.memory_space<semaphore_mem>>)
        %dma_wait3A_173 = arith.constant 0 : i32
        %dma_wait3A_174 = arith.constant 0 : i32
        %dma_wait3A_175 = tpu.memref_slice %arg12[%dma_wait3A_173, %dma_wait3A_174] : memref<64x128xf32, #tpu.memory_space<vmem>> -> memref<32x128xf32, #tpu.memory_space<vmem>>
        %dma_wait3A_176 = arith.constant 499968 : i32
        %dma_wait3A_177 = arith.constant 0 : i32
        %dma_wait3A_178 = tpu.memref_slice %arg7[%dma_wait3A_176, %dma_wait3A_177] : memref<500000x128xf32, #tpu.memory_space<hbm>> -> memref<32x128xf32, #tpu.memory_space<hbm>>
        %dma_wait3A_179 = arith.constant 499968 : i32
        %dma_wait3A_180 = arith.constant 0 : i32
        %dma_wait3A_181 = tpu.memref_slice %arg7[%dma_wait3A_179, %dma_wait3A_180] : memref<500000x128xf32, #tpu.memory_space<hbm>> -> memref<32x128xf32, #tpu.memory_space<hbm>>
        %dma_wait3A_182 = arith.constant 0 : i32
        %dma_wait3A_183 = arith.constant 0 : i32
        %dma_wait3A_184 = tpu.memref_slice %arg12[%dma_wait3A_182, %dma_wait3A_183] : memref<64x128xf32, #tpu.memory_space<vmem>> -> memref<32x128xf32, #tpu.memory_space<vmem>>
        tpu.wait_dma2 semaphore(%run_scoped3A : memref<!tpu.dma_semaphore, #tpu.memory_space<semaphore_mem>>) src(%dma_wait3A_184 : memref<32x128xf32, #tpu.memory_space<vmem>>) dst(%dma_wait3A_181 : memref<32x128xf32, #tpu.memory_space<hbm>>)
        tpu.yield
      }) : () -> ()
    } else {
    }
    %barrier3A = arith.constant 0 : index
    tpu.barrier barrier_id(%barrier3A)
    %ne3A_121 = arith.constant 0 : i32
    "tpu.trace_start"() <{level = 10 : i32, message = "sync_cores"}> : () -> ()
    %ne3A_122 = arith.cmpi ne, %arg0, %ne3A_121 : i32
    %convert_element_type3A_123 = arith.extui %ne3A_122 : i1 to i32
    %cond3A_124 = arith.constant 0 : i32
    %cond3A_125 = arith.cmpi ne, %convert_element_type3A_123, %cond3A_124 : i32
    scf.if %cond3A_125 {
      %semaphore_signal3A = arith.constant 1 : i32
      %semaphore_signal3A_155 = arith.constant 0 : i32
      tpu.sem_signal %arg22, %semaphore_signal3A core_id %semaphore_signal3A_155 : memref<!tpu.semaphore, #tpu.memory_space<semaphore_mem>>
    } else {
    }
    %ne3A_126 = arith.constant 1 : i32
    %ne3A_127 = arith.cmpi ne, %arg0, %ne3A_126 : i32
    %convert_element_type3A_128 = arith.extui %ne3A_127 : i1 to i32
    %cond3A_129 = arith.constant 0 : i32
    %cond3A_130 = arith.cmpi ne, %convert_element_type3A_128, %cond3A_129 : i32
    scf.if %cond3A_130 {
      %semaphore_signal3A = arith.constant 1 : i32
      %semaphore_signal3A_155 = arith.constant 1 : i32
      tpu.sem_signal %arg22, %semaphore_signal3A core_id %semaphore_signal3A_155 : memref<!tpu.semaphore, #tpu.memory_space<semaphore_mem>>
    } else {
    }
    %semaphore_wait3A = arith.constant 1 : i32
    %semaphore_wait3A_131 = arith.constant true
    tpu.sem_wait %arg22, %semaphore_wait3A : memref<!tpu.semaphore, #tpu.memory_space<semaphore_mem>>
    %dma_start3A = arith.constant 0 : i32
    "tpu.trace_stop"() : () -> ()
    %dma_start3A_132 = arith.constant 0 : i32
    %dma_start3A_133 = tpu.memref_slice %arg8[%dma_start3A, %dma_start3A_132] : memref<80x128xi32, #tpu.memory_space<vmem>> -> memref<1x128xi32, #tpu.memory_space<vmem>>
    %dma_start3A_134 = tpu.memref_squeeze %dma_start3A_133 : memref<1x128xi32, #tpu.memory_space<vmem>> -> memref<128xi32, #tpu.memory_space<vmem>>
    %dma_start3A_135 = arith.constant 0 : i32
    %dma_start3A_136 = arith.constant 0 : i32
    %dma_start3A_137 = tpu.memref_slice %arg7[%dma_start3A_135, %dma_start3A_136] : memref<500000x128xf32, #tpu.memory_space<hbm>> -> memref<500000x128xf32, #tpu.memory_space<hbm>>
    tpu.enqueue_indirect_dma source(%dma_start3A_137 : memref<500000x128xf32, #tpu.memory_space<hbm>>) target(%arg14 : memref<128x128xf32, #tpu.memory_space<vmem>>) offsets(%dma_start3A_134 : memref<128xi32, #tpu.memory_space<vmem>>) semaphore(%arg20 : memref<!tpu.dma_semaphore, #tpu.memory_space<semaphore_mem>>)
    %scan3A_138 = arith.constant 0 : i32
    %scan3A_139 = arith.constant 0 : i32
    %scan3A_140 = arith.constant 40 : i32
    %scan3A_141 = arith.addi %scan3A_139, %scan3A_140 : i32
    %scan3A_142 = arith.constant 1 : i32
    scf.for %scan3A_155 = %scan3A_139 to %scan3A_141 step %scan3A_142  : i32 {
      %mul3A_156 = arith.constant 2 : i32
      %mul3A_157 = arith.muli %mul3A_156, %scan3A_155 : i32
      %add3A_158 = arith.constant 0 : i32
      %add3A_159 = arith.addi %mul3A_157, %add3A_158 : i32
      %dma_wait3A_160 = arith.constant 0 : i32
      %dma_wait3A_161 = arith.constant 0 : i32
      %dma_wait3A_162 = tpu.memref_slice %arg7[%dma_wait3A_160, %dma_wait3A_161] : memref<500000x128xf32, #tpu.memory_space<hbm>> -> memref<128x128xf32, #tpu.memory_space<hbm>>
      %dma_wait3A_163 = arith.constant 0 : i32
      %dma_wait3A_164 = arith.constant 0 : i32
      %dma_wait3A_165 = tpu.memref_slice %arg7[%dma_wait3A_163, %dma_wait3A_164] : memref<500000x128xf32, #tpu.memory_space<hbm>> -> memref<128x128xf32, #tpu.memory_space<hbm>>
      tpu.wait_dma2 semaphore(%arg20 : memref<!tpu.dma_semaphore, #tpu.memory_space<semaphore_mem>>) src(%dma_wait3A_165 : memref<128x128xf32, #tpu.memory_space<hbm>>) dst(%arg14 : memref<128x128xf32, #tpu.memory_space<vmem>>)
      %add3A_166 = arith.constant 1 : i32
      %add3A_167 = arith.addi %add3A_159, %add3A_166 : i32
      %lt3A_168 = arith.constant 80 : i32
      %lt3A_169 = arith.cmpi slt, %add3A_167, %lt3A_168 : i32
      %convert_element_type3A_170 = arith.extui %lt3A_169 : i1 to i32
      %cond3A_171 = arith.constant 0 : i32
      %cond3A_172 = arith.cmpi ne, %convert_element_type3A_170, %cond3A_171 : i32
      scf.if %cond3A_172 {
        %add3A_432 = arith.constant 1 : i32
        %add3A_433 = arith.addi %add3A_159, %add3A_432 : i32
        %dma_start3A_434 = arith.constant 0 : i32
        %dma_start3A_435 = tpu.memref_slice %arg8[%add3A_433, %dma_start3A_434] : memref<80x128xi32, #tpu.memory_space<vmem>> -> memref<1x128xi32, #tpu.memory_space<vmem>>
        %dma_start3A_436 = tpu.memref_squeeze %dma_start3A_435 : memref<1x128xi32, #tpu.memory_space<vmem>> -> memref<128xi32, #tpu.memory_space<vmem>>
        %dma_start3A_437 = arith.constant 0 : i32
        %dma_start3A_438 = arith.constant 0 : i32
        %dma_start3A_439 = tpu.memref_slice %arg7[%dma_start3A_437, %dma_start3A_438] : memref<500000x128xf32, #tpu.memory_space<hbm>> -> memref<500000x128xf32, #tpu.memory_space<hbm>>
        tpu.enqueue_indirect_dma source(%dma_start3A_439 : memref<500000x128xf32, #tpu.memory_space<hbm>>) target(%arg15 : memref<128x128xf32, #tpu.memory_space<vmem>>) offsets(%dma_start3A_436 : memref<128xi32, #tpu.memory_space<vmem>>) semaphore(%arg20 : memref<!tpu.dma_semaphore, #tpu.memory_space<semaphore_mem>>)
      } else {
      }
      %ge3A = arith.constant 2 : i32
      %ge3A_173 = arith.cmpi sge, %add3A_159, %ge3A : i32
      %convert_element_type3A_174 = arith.extui %ge3A_173 : i1 to i32
      %cond3A_175 = arith.constant 0 : i32
      %cond3A_176 = arith.cmpi ne, %convert_element_type3A_174, %cond3A_175 : i32
      scf.if %cond3A_176 {
        %dma_wait3A_432 = arith.constant 0 : i32
        %dma_wait3A_433 = arith.constant 0 : i32
        %dma_wait3A_434 = tpu.memref_slice %arg6[%dma_wait3A_432, %dma_wait3A_433] : memref<64x327680xf32, #tpu.memory_space<hbm>> -> memref<64x128xf32, #tpu.memory_space<hbm>>
        %dma_wait3A_435 = arith.constant 0 : i32
        %dma_wait3A_436 = arith.constant 0 : i32
        %dma_wait3A_437 = tpu.memref_slice %arg6[%dma_wait3A_435, %dma_wait3A_436] : memref<64x327680xf32, #tpu.memory_space<hbm>> -> memref<64x128xf32, #tpu.memory_space<hbm>>
        tpu.wait_dma2 semaphore(%arg21 : memref<!tpu.dma_semaphore, #tpu.memory_space<semaphore_mem>>) src(%arg16 : memref<64x128xf32, #tpu.memory_space<vmem>>) dst(%dma_wait3A_437 : memref<64x128xf32, #tpu.memory_space<hbm>>)
      } else {
      }
      %get3A = arith.index_cast %add3A_159 : i32 to index
      %get3A_177 = arith.constant 0 : index
      %get3A_178 = tpu.vector_load %arg9[%get3A, %get3A_177] {strides = array<i32>} : memref<80x128xi32, #tpu.memory_space<vmem>>, vector<16xi32>,
      %get3A_179 = arith.index_cast %add3A_159 : i32 to index
      %get3A_180 = arith.constant 0 : index
      %get3A_181 = tpu.vector_load %arg8[%get3A_179, %get3A_180] {strides = array<i32>} : memref<80x128xi32, #tpu.memory_space<vmem>>, vector<16xi32>,
      %mul3A_182 = arith.constant 64 : i32
      %mul3A_183 = vector.broadcast %mul3A_182 : i32 to vector<16xi32>
      %mul3A_184 = arith.muli %get3A_178, %mul3A_183 : vector<16xi32>
      %mul3A_185 = arith.constant 2 : i32
      %mul3A_186 = vector.broadcast %mul3A_185 : i32 to vector<16xi32>
      %mul3A_187 = arith.muli %mul3A_186, %get3A_181 : vector<16xi32>
      %add3A_188 = arith.addi %mul3A_187, %get3A_178 : vector<16xi32>
      %get3A_189 = arith.index_cast %add3A_159 : i32 to index
      %get3A_190 = arith.constant 16 : index
      %get3A_191 = tpu.vector_load %arg9[%get3A_189, %get3A_190] {strides = array<i32>} : memref<80x128xi32, #tpu.memory_space<vmem>>, vector<16xi32>,
      %get3A_192 = arith.index_cast %add3A_159 : i32 to index
      %get3A_193 = arith.constant 16 : index
      %get3A_194 = tpu.vector_load %arg8[%get3A_192, %get3A_193] {strides = array<i32>} : memref<80x128xi32, #tpu.memory_space<vmem>>, vector<16xi32>,
      %mul3A_195 = arith.constant 64 : i32
      %mul3A_196 = vector.broadcast %mul3A_195 : i32 to vector<16xi32>
      %mul3A_197 = arith.muli %get3A_191, %mul3A_196 : vector<16xi32>
      %mul3A_198 = arith.constant 2 : i32
      %mul3A_199 = vector.broadcast %mul3A_198 : i32 to vector<16xi32>
      %mul3A_200 = arith.muli %mul3A_199, %get3A_194 : vector<16xi32>
      %add3A_201 = arith.addi %mul3A_200, %get3A_191 : vector<16xi32>
      %get3A_202 = arith.index_cast %add3A_159 : i32 to index
      %get3A_203 = arith.constant 32 : index
      %get3A_204 = tpu.vector_load %arg9[%get3A_202, %get3A_203] {strides = array<i32>} : memref<80x128xi32, #tpu.memory_space<vmem>>, vector<16xi32>,
      %get3A_205 = arith.index_cast %add3A_159 : i32 to index
      %get3A_206 = arith.constant 32 : index
      %get3A_207 = tpu.vector_load %arg8[%get3A_205, %get3A_206] {strides = array<i32>} : memref<80x128xi32, #tpu.memory_space<vmem>>, vector<16xi32>,
      %mul3A_208 = arith.constant 64 : i32
      %mul3A_209 = vector.broadcast %mul3A_208 : i32 to vector<16xi32>
      %mul3A_210 = arith.muli %get3A_204, %mul3A_209 : vector<16xi32>
      %mul3A_211 = arith.constant 2 : i32
      %mul3A_212 = vector.broadcast %mul3A_211 : i32 to vector<16xi32>
      %mul3A_213 = arith.muli %mul3A_212, %get3A_207 : vector<16xi32>
      %add3A_214 = arith.addi %mul3A_213, %get3A_204 : vector<16xi32>
      %get3A_215 = arith.index_cast %add3A_159 : i32 to index
      %get3A_216 = arith.constant 48 : index
      %get3A_217 = tpu.vector_load %arg9[%get3A_215, %get3A_216] {strides = array<i32>} : memref<80x128xi32, #tpu.memory_space<vmem>>, vector<16xi32>,
      %get3A_218 = arith.index_cast %add3A_159 : i32 to index
      %get3A_219 = arith.constant 48 : index
      %get3A_220 = tpu.vector_load %arg8[%get3A_218, %get3A_219] {strides = array<i32>} : memref<80x128xi32, #tpu.memory_space<vmem>>, vector<16xi32>,
      %mul3A_221 = arith.constant 64 : i32
      %mul3A_222 = vector.broadcast %mul3A_221 : i32 to vector<16xi32>
      %mul3A_223 = arith.muli %get3A_217, %mul3A_222 : vector<16xi32>
      %mul3A_224 = arith.constant 2 : i32
      %mul3A_225 = vector.broadcast %mul3A_224 : i32 to vector<16xi32>
      %mul3A_226 = arith.muli %mul3A_225, %get3A_220 : vector<16xi32>
      %add3A_227 = arith.addi %mul3A_226, %get3A_217 : vector<16xi32>
      %get3A_228 = arith.index_cast %add3A_159 : i32 to index
      %get3A_229 = arith.constant 64 : index
      %get3A_230 = tpu.vector_load %arg9[%get3A_228, %get3A_229] {strides = array<i32>} : memref<80x128xi32, #tpu.memory_space<vmem>>, vector<16xi32>,
      %get3A_231 = arith.index_cast %add3A_159 : i32 to index
      %get3A_232 = arith.constant 64 : index
      %get3A_233 = tpu.vector_load %arg8[%get3A_231, %get3A_232] {strides = array<i32>} : memref<80x128xi32, #tpu.memory_space<vmem>>, vector<16xi32>,
      %mul3A_234 = arith.constant 64 : i32
      %mul3A_235 = vector.broadcast %mul3A_234 : i32 to vector<16xi32>
      %mul3A_236 = arith.muli %get3A_230, %mul3A_235 : vector<16xi32>
      %mul3A_237 = arith.constant 2 : i32
      %mul3A_238 = vector.broadcast %mul3A_237 : i32 to vector<16xi32>
      %mul3A_239 = arith.muli %mul3A_238, %get3A_233 : vector<16xi32>
      %add3A_240 = arith.addi %mul3A_239, %get3A_230 : vector<16xi32>
      %get3A_241 = arith.index_cast %add3A_159 : i32 to index
      %get3A_242 = arith.constant 80 : index
      %get3A_243 = tpu.vector_load %arg9[%get3A_241, %get3A_242] {strides = array<i32>} : memref<80x128xi32, #tpu.memory_space<vmem>>, vector<16xi32>,
      %get3A_244 = arith.index_cast %add3A_159 : i32 to index
      %get3A_245 = arith.constant 80 : index
      %get3A_246 = tpu.vector_load %arg8[%get3A_244, %get3A_245] {strides = array<i32>} : memref<80x128xi32, #tpu.memory_space<vmem>>, vector<16xi32>,
      %mul3A_247 = arith.constant 64 : i32
      %mul3A_248 = vector.broadcast %mul3A_247 : i32 to vector<16xi32>
      %mul3A_249 = arith.muli %get3A_243, %mul3A_248 : vector<16xi32>
      %mul3A_250 = arith.constant 2 : i32
      %mul3A_251 = vector.broadcast %mul3A_250 : i32 to vector<16xi32>
      %mul3A_252 = arith.muli %mul3A_251, %get3A_246 : vector<16xi32>
      %add3A_253 = arith.addi %mul3A_252, %get3A_243 : vector<16xi32>
      %get3A_254 = arith.index_cast %add3A_159 : i32 to index
      %get3A_255 = arith.constant 96 : index
      %get3A_256 = tpu.vector_load %arg9[%get3A_254, %get3A_255] {strides = array<i32>} : memref<80x128xi32, #tpu.memory_space<vmem>>, vector<16xi32>,
      %get3A_257 = arith.index_cast %add3A_159 : i32 to index
      %get3A_258 = arith.constant 96 : index
      %get3A_259 = tpu.vector_load %arg8[%get3A_257, %get3A_258] {strides = array<i32>} : memref<80x128xi32, #tpu.memory_space<vmem>>, vector<16xi32>,
      %mul3A_260 = arith.constant 64 : i32
      %mul3A_261 = vector.broadcast %mul3A_260 : i32 to vector<16xi32>
      %mul3A_262 = arith.muli %get3A_256, %mul3A_261 : vector<16xi32>
      %mul3A_263 = arith.constant 2 : i32
      %mul3A_264 = vector.broadcast %mul3A_263 : i32 to vector<16xi32>
      %mul3A_265 = arith.muli %mul3A_264, %get3A_259 : vector<16xi32>
      %add3A_266 = arith.addi %mul3A_265, %get3A_256 : vector<16xi32>
      %get3A_267 = arith.index_cast %add3A_159 : i32 to index
      %get3A_268 = arith.constant 112 : index
      %get3A_269 = tpu.vector_load %arg9[%get3A_267, %get3A_268] {strides = array<i32>} : memref<80x128xi32, #tpu.memory_space<vmem>>, vector<16xi32>,
      %get3A_270 = arith.index_cast %add3A_159 : i32 to index
      %get3A_271 = arith.constant 112 : index
      %get3A_272 = tpu.vector_load %arg8[%get3A_270, %get3A_271] {strides = array<i32>} : memref<80x128xi32, #tpu.memory_space<vmem>>, vector<16xi32>,
      %mul3A_273 = arith.constant 64 : i32
      %mul3A_274 = vector.broadcast %mul3A_273 : i32 to vector<16xi32>
      %mul3A_275 = arith.muli %get3A_269, %mul3A_274 : vector<16xi32>
      %mul3A_276 = arith.constant 2 : i32
      %mul3A_277 = vector.broadcast %mul3A_276 : i32 to vector<16xi32>
      %mul3A_278 = arith.muli %mul3A_277, %get3A_272 : vector<16xi32>
      %add3A_279 = arith.addi %mul3A_278, %get3A_269 : vector<16xi32>
      %scan3A_280 = arith.constant 0 : i32
      %scan3A_281 = arith.constant 0 : i32
      %scan3A_282 = arith.constant 32 : i32
      %scan3A_283 = arith.addi %scan3A_281, %scan3A_282 : i32
      %scan3A_284 = arith.constant 1 : i32
      scf.for %scan3A_432 = %scan3A_281 to %scan3A_283 step %scan3A_284  : i32 {
        %mul3A_433 = arith.constant 2 : i32
        %mul3A_434 = arith.muli %mul3A_433, %scan3A_432 : i32
        %add3A_435 = arith.constant 0 : i32
        %add3A_436 = arith.addi %mul3A_434, %add3A_435 : i32
        %broadcast_in_dim3A = vector.broadcast %add3A_436 : i32 to vector<16xi32>
        %mul3A_437 = arith.constant 2 : i32
        %mul3A_438 = arith.muli %mul3A_437, %scan3A_432 : i32
        %add3A_439 = arith.constant 1 : i32
        %add3A_440 = arith.addi %mul3A_438, %add3A_439 : i32
        %broadcast_in_dim3A_441 = vector.broadcast %add3A_440 : i32 to vector<16xi32>
        %add3A_442 = arith.addi %broadcast_in_dim3A, %add3A_188 : vector<16xi32>
        %and3A_443 = arith.constant 63 : i32
        %and3A_444 = vector.broadcast %and3A_443 : i32 to vector<16xi32>
        %and3A_445 = arith.andi %add3A_442, %and3A_444 : vector<16xi32>
        %add3A_446 = arith.addi %mul3A_184, %and3A_445 : vector<16xi32>
        %gather3A = tpu.vector_load_idx %arg14[%add3A_75, %add3A_446] : memref<128x128xf32, #tpu.memory_space<vmem>>[vector<16xi32>, vector<16xi32>], vector<16xf32>,
        %add3A_447 = arith.addi %broadcast_in_dim3A, %add3A_201 : vector<16xi32>
        %and3A_448 = arith.constant 63 : i32
        %and3A_449 = vector.broadcast %and3A_448 : i32 to vector<16xi32>
        %and3A_450 = arith.andi %add3A_447, %and3A_449 : vector<16xi32>
        %add3A_451 = arith.addi %mul3A_197, %and3A_450 : vector<16xi32>
        %gather3A_452 = tpu.vector_load_idx %arg14[%add3A_78, %add3A_451] : memref<128x128xf32, #tpu.memory_space<vmem>>[vector<16xi32>, vector<16xi32>], vector<16xf32>,
        %add3A_453 = arith.addi %broadcast_in_dim3A, %add3A_214 : vector<16xi32>
        %and3A_454 = arith.constant 63 : i32
        %and3A_455 = vector.broadcast %and3A_454 : i32 to vector<16xi32>
        %and3A_456 = arith.andi %add3A_453, %and3A_455 : vector<16xi32>
        %add3A_457 = arith.addi %mul3A_210, %and3A_456 : vector<16xi32>
        %gather3A_458 = tpu.vector_load_idx %arg14[%add3A_81, %add3A_457] : memref<128x128xf32, #tpu.memory_space<vmem>>[vector<16xi32>, vector<16xi32>], vector<16xf32>,
        %add3A_459 = arith.addi %broadcast_in_dim3A, %add3A_227 : vector<16xi32>
        %and3A_460 = arith.constant 63 : i32
        %and3A_461 = vector.broadcast %and3A_460 : i32 to vector<16xi32>
        %and3A_462 = arith.andi %add3A_459, %and3A_461 : vector<16xi32>
        %add3A_463 = arith.addi %mul3A_223, %and3A_462 : vector<16xi32>
        %gather3A_464 = tpu.vector_load_idx %arg14[%add3A_84, %add3A_463] : memref<128x128xf32, #tpu.memory_space<vmem>>[vector<16xi32>, vector<16xi32>], vector<16xf32>,
        %add3A_465 = arith.addi %broadcast_in_dim3A, %add3A_240 : vector<16xi32>
        %and3A_466 = arith.constant 63 : i32
        %and3A_467 = vector.broadcast %and3A_466 : i32 to vector<16xi32>
        %and3A_468 = arith.andi %add3A_465, %and3A_467 : vector<16xi32>
        %add3A_469 = arith.addi %mul3A_236, %and3A_468 : vector<16xi32>
        %gather3A_470 = tpu.vector_load_idx %arg14[%add3A_87, %add3A_469] : memref<128x128xf32, #tpu.memory_space<vmem>>[vector<16xi32>, vector<16xi32>], vector<16xf32>,
        %add3A_471 = arith.addi %broadcast_in_dim3A, %add3A_253 : vector<16xi32>
        %and3A_472 = arith.constant 63 : i32
        %and3A_473 = vector.broadcast %and3A_472 : i32 to vector<16xi32>
        %and3A_474 = arith.andi %add3A_471, %and3A_473 : vector<16xi32>
        %add3A_475 = arith.addi %mul3A_249, %and3A_474 : vector<16xi32>
        %gather3A_476 = tpu.vector_load_idx %arg14[%add3A_90, %add3A_475] : memref<128x128xf32, #tpu.memory_space<vmem>>[vector<16xi32>, vector<16xi32>], vector<16xf32>,
        %add3A_477 = arith.addi %broadcast_in_dim3A, %add3A_266 : vector<16xi32>
        %and3A_478 = arith.constant 63 : i32
        %and3A_479 = vector.broadcast %and3A_478 : i32 to vector<16xi32>
        %and3A_480 = arith.andi %add3A_477, %and3A_479 : vector<16xi32>
        %add3A_481 = arith.addi %mul3A_262, %and3A_480 : vector<16xi32>
        %gather3A_482 = tpu.vector_load_idx %arg14[%add3A_93, %add3A_481] : memref<128x128xf32, #tpu.memory_space<vmem>>[vector<16xi32>, vector<16xi32>], vector<16xf32>,
        %add3A_483 = arith.addi %broadcast_in_dim3A, %add3A_279 : vector<16xi32>
        %and3A_484 = arith.constant 63 : i32
        %and3A_485 = vector.broadcast %and3A_484 : i32 to vector<16xi32>
        %and3A_486 = arith.andi %add3A_483, %and3A_485 : vector<16xi32>
        %add3A_487 = arith.addi %mul3A_275, %and3A_486 : vector<16xi32>
        %gather3A_488 = tpu.vector_load_idx %arg14[%add3A_96, %add3A_487] : memref<128x128xf32, #tpu.memory_space<vmem>>[vector<16xi32>, vector<16xi32>], vector<16xf32>,
        %add3A_489 = arith.addi %broadcast_in_dim3A_441, %add3A_188 : vector<16xi32>
        %and3A_490 = arith.constant 63 : i32
        %and3A_491 = vector.broadcast %and3A_490 : i32 to vector<16xi32>
        %and3A_492 = arith.andi %add3A_489, %and3A_491 : vector<16xi32>
        %add3A_493 = arith.addi %mul3A_184, %and3A_492 : vector<16xi32>
        %gather3A_494 = tpu.vector_load_idx %arg14[%add3A_75, %add3A_493] : memref<128x128xf32, #tpu.memory_space<vmem>>[vector<16xi32>, vector<16xi32>], vector<16xf32>,
        %add3A_495 = arith.addi %broadcast_in_dim3A_441, %add3A_201 : vector<16xi32>
        %and3A_496 = arith.constant 63 : i32
        %and3A_497 = vector.broadcast %and3A_496 : i32 to vector<16xi32>
        %and3A_498 = arith.andi %add3A_495, %and3A_497 : vector<16xi32>
        %add3A_499 = arith.addi %mul3A_197, %and3A_498 : vector<16xi32>
        %gather3A_500 = tpu.vector_load_idx %arg14[%add3A_78, %add3A_499] : memref<128x128xf32, #tpu.memory_space<vmem>>[vector<16xi32>, vector<16xi32>], vector<16xf32>,
        %add3A_501 = arith.addi %broadcast_in_dim3A_441, %add3A_214 : vector<16xi32>
        %and3A_502 = arith.constant 63 : i32
        %and3A_503 = vector.broadcast %and3A_502 : i32 to vector<16xi32>
        %and3A_504 = arith.andi %add3A_501, %and3A_503 : vector<16xi32>
        %add3A_505 = arith.addi %mul3A_210, %and3A_504 : vector<16xi32>
        %gather3A_506 = tpu.vector_load_idx %arg14[%add3A_81, %add3A_505] : memref<128x128xf32, #tpu.memory_space<vmem>>[vector<16xi32>, vector<16xi32>], vector<16xf32>,
        %add3A_507 = arith.addi %broadcast_in_dim3A_441, %add3A_227 : vector<16xi32>
        %and3A_508 = arith.constant 63 : i32
        %and3A_509 = vector.broadcast %and3A_508 : i32 to vector<16xi32>
        %and3A_510 = arith.andi %add3A_507, %and3A_509 : vector<16xi32>
        %add3A_511 = arith.addi %mul3A_223, %and3A_510 : vector<16xi32>
        %gather3A_512 = tpu.vector_load_idx %arg14[%add3A_84, %add3A_511] : memref<128x128xf32, #tpu.memory_space<vmem>>[vector<16xi32>, vector<16xi32>], vector<16xf32>,
        %add3A_513 = arith.addi %broadcast_in_dim3A_441, %add3A_240 : vector<16xi32>
        %and3A_514 = arith.constant 63 : i32
        %and3A_515 = vector.broadcast %and3A_514 : i32 to vector<16xi32>
        %and3A_516 = arith.andi %add3A_513, %and3A_515 : vector<16xi32>
        %add3A_517 = arith.addi %mul3A_236, %and3A_516 : vector<16xi32>
        %gather3A_518 = tpu.vector_load_idx %arg14[%add3A_87, %add3A_517] : memref<128x128xf32, #tpu.memory_space<vmem>>[vector<16xi32>, vector<16xi32>], vector<16xf32>,
        %add3A_519 = arith.addi %broadcast_in_dim3A_441, %add3A_253 : vector<16xi32>
        %and3A_520 = arith.constant 63 : i32
        %and3A_521 = vector.broadcast %and3A_520 : i32 to vector<16xi32>
        %and3A_522 = arith.andi %add3A_519, %and3A_521 : vector<16xi32>
        %add3A_523 = arith.addi %mul3A_249, %and3A_522 : vector<16xi32>
        %gather3A_524 = tpu.vector_load_idx %arg14[%add3A_90, %add3A_523] : memref<128x128xf32, #tpu.memory_space<vmem>>[vector<16xi32>, vector<16xi32>], vector<16xf32>,
        %add3A_525 = arith.addi %broadcast_in_dim3A_441, %add3A_266 : vector<16xi32>
        %and3A_526 = arith.constant 63 : i32
        %and3A_527 = vector.broadcast %and3A_526 : i32 to vector<16xi32>
        %and3A_528 = arith.andi %add3A_525, %and3A_527 : vector<16xi32>
        %add3A_529 = arith.addi %mul3A_262, %and3A_528 : vector<16xi32>
        %gather3A_530 = tpu.vector_load_idx %arg14[%add3A_93, %add3A_529] : memref<128x128xf32, #tpu.memory_space<vmem>>[vector<16xi32>, vector<16xi32>], vector<16xf32>,
        %add3A_531 = arith.addi %broadcast_in_dim3A_441, %add3A_279 : vector<16xi32>
        %and3A_532 = arith.constant 63 : i32
        %and3A_533 = vector.broadcast %and3A_532 : i32 to vector<16xi32>
        %and3A_534 = arith.andi %add3A_531, %and3A_533 : vector<16xi32>
        %add3A_535 = arith.addi %mul3A_275, %and3A_534 : vector<16xi32>
        %gather3A_536 = tpu.vector_load_idx %arg14[%add3A_96, %add3A_535] : memref<128x128xf32, #tpu.memory_space<vmem>>[vector<16xi32>, vector<16xi32>], vector<16xf32>,
        tpu.vector_store_idx %arg16[%broadcast_in_dim3A, %add3A_75], %gather3A : memref<64x128xf32, #tpu.memory_space<vmem>>[vector<16xi32>, vector<16xi32>], vector<16xf32>,
        tpu.vector_store_idx %arg16[%broadcast_in_dim3A, %add3A_78], %gather3A_452 : memref<64x128xf32, #tpu.memory_space<vmem>>[vector<16xi32>, vector<16xi32>], vector<16xf32>,
        tpu.vector_store_idx %arg16[%broadcast_in_dim3A, %add3A_81], %gather3A_458 : memref<64x128xf32, #tpu.memory_space<vmem>>[vector<16xi32>, vector<16xi32>], vector<16xf32>,
        tpu.vector_store_idx %arg16[%broadcast_in_dim3A, %add3A_84], %gather3A_464 : memref<64x128xf32, #tpu.memory_space<vmem>>[vector<16xi32>, vector<16xi32>], vector<16xf32>,
        tpu.vector_store_idx %arg16[%broadcast_in_dim3A, %add3A_87], %gather3A_470 : memref<64x128xf32, #tpu.memory_space<vmem>>[vector<16xi32>, vector<16xi32>], vector<16xf32>,
        tpu.vector_store_idx %arg16[%broadcast_in_dim3A, %add3A_90], %gather3A_476 : memref<64x128xf32, #tpu.memory_space<vmem>>[vector<16xi32>, vector<16xi32>], vector<16xf32>,
        tpu.vector_store_idx %arg16[%broadcast_in_dim3A, %add3A_93], %gather3A_482 : memref<64x128xf32, #tpu.memory_space<vmem>>[vector<16xi32>, vector<16xi32>], vector<16xf32>,
        tpu.vector_store_idx %arg16[%broadcast_in_dim3A, %add3A_96], %gather3A_488 : memref<64x128xf32, #tpu.memory_space<vmem>>[vector<16xi32>, vector<16xi32>], vector<16xf32>,
        tpu.vector_store_idx %arg16[%broadcast_in_dim3A_441, %add3A_75], %gather3A_494 : memref<64x128xf32, #tpu.memory_space<vmem>>[vector<16xi32>, vector<16xi32>], vector<16xf32>,
        tpu.vector_store_idx %arg16[%broadcast_in_dim3A_441, %add3A_78], %gather3A_500 : memref<64x128xf32, #tpu.memory_space<vmem>>[vector<16xi32>, vector<16xi32>], vector<16xf32>,
        tpu.vector_store_idx %arg16[%broadcast_in_dim3A_441, %add3A_81], %gather3A_506 : memref<64x128xf32, #tpu.memory_space<vmem>>[vector<16xi32>, vector<16xi32>], vector<16xf32>,
        tpu.vector_store_idx %arg16[%broadcast_in_dim3A_441, %add3A_84], %gather3A_512 : memref<64x128xf32, #tpu.memory_space<vmem>>[vector<16xi32>, vector<16xi32>], vector<16xf32>,
        tpu.vector_store_idx %arg16[%broadcast_in_dim3A_441, %add3A_87], %gather3A_518 : memref<64x128xf32, #tpu.memory_space<vmem>>[vector<16xi32>, vector<16xi32>], vector<16xf32>,
        tpu.vector_store_idx %arg16[%broadcast_in_dim3A_441, %add3A_90], %gather3A_524 : memref<64x128xf32, #tpu.memory_space<vmem>>[vector<16xi32>, vector<16xi32>], vector<16xf32>,
        tpu.vector_store_idx %arg16[%broadcast_in_dim3A_441, %add3A_93], %gather3A_530 : memref<64x128xf32, #tpu.memory_space<vmem>>[vector<16xi32>, vector<16xi32>], vector<16xf32>,
        tpu.vector_store_idx %arg16[%broadcast_in_dim3A_441, %add3A_96], %gather3A_536 : memref<64x128xf32, #tpu.memory_space<vmem>>[vector<16xi32>, vector<16xi32>], vector<16xf32>,
      }
      %scan3A_285 = arith.constant 32 : i32
      %mul3A_286 = arith.constant 128 : i32
      %mul3A_287 = arith.muli %add3A_159, %mul3A_286 : i32
      %add3A_288 = arith.addi %mul3A_2, %mul3A_287 : i32
      %dma_start3A_289 = arith.constant 0 : i32
      %dma_start3A_290 = tpu.memref_slice %arg6[%dma_start3A_289, %add3A_288] : memref<64x327680xf32, #tpu.memory_space<hbm>> -> memref<64x128xf32, #tpu.memory_space<hbm>>
      %dma_start3A_291 = arith.constant 0 : i32
      %dma_start3A_292 = tpu.memref_slice %arg6[%dma_start3A_291, %add3A_288] : memref<64x327680xf32, #tpu.memory_space<hbm>> -> memref<64x128xf32, #tpu.memory_space<hbm>>
      tpu.enqueue_dma source(%arg16 : memref<64x128xf32, #tpu.memory_space<vmem>>) target(%dma_start3A_292 : memref<64x128xf32, #tpu.memory_space<hbm>>) target_semaphore(%arg21 : memref<!tpu.dma_semaphore, #tpu.memory_space<semaphore_mem>>)
      %mul3A_293 = arith.constant 2 : i32
      %mul3A_294 = arith.muli %mul3A_293, %scan3A_155 : i32
      %add3A_295 = arith.constant 1 : i32
      %add3A_296 = arith.addi %mul3A_294, %add3A_295 : i32
      %dma_wait3A_297 = arith.constant 0 : i32
      %dma_wait3A_298 = arith.constant 0 : i32
      %dma_wait3A_299 = tpu.memref_slice %arg7[%dma_wait3A_297, %dma_wait3A_298] : memref<500000x128xf32, #tpu.memory_space<hbm>> -> memref<128x128xf32, #tpu.memory_space<hbm>>
      %dma_wait3A_300 = arith.constant 0 : i32
      %dma_wait3A_301 = arith.constant 0 : i32
      %dma_wait3A_302 = tpu.memref_slice %arg7[%dma_wait3A_300, %dma_wait3A_301] : memref<500000x128xf32, #tpu.memory_space<hbm>> -> memref<128x128xf32, #tpu.memory_space<hbm>>
      tpu.wait_dma2 semaphore(%arg20 : memref<!tpu.dma_semaphore, #tpu.memory_space<semaphore_mem>>) src(%dma_wait3A_302 : memref<128x128xf32, #tpu.memory_space<hbm>>) dst(%arg15 : memref<128x128xf32, #tpu.memory_space<vmem>>)
      %add3A_303 = arith.constant 1 : i32
      %add3A_304 = arith.addi %add3A_296, %add3A_303 : i32
      %lt3A_305 = arith.constant 80 : i32
      %lt3A_306 = arith.cmpi slt, %add3A_304, %lt3A_305 : i32
      %convert_element_type3A_307 = arith.extui %lt3A_306 : i1 to i32
      %cond3A_308 = arith.constant 0 : i32
      %cond3A_309 = arith.cmpi ne, %convert_element_type3A_307, %cond3A_308 : i32
      scf.if %cond3A_309 {
        %add3A_432 = arith.constant 1 : i32
        %add3A_433 = arith.addi %add3A_296, %add3A_432 : i32
        %dma_start3A_434 = arith.constant 0 : i32
        %dma_start3A_435 = tpu.memref_slice %arg8[%add3A_433, %dma_start3A_434] : memref<80x128xi32, #tpu.memory_space<vmem>> -> memref<1x128xi32, #tpu.memory_space<vmem>>
        %dma_start3A_436 = tpu.memref_squeeze %dma_start3A_435 : memref<1x128xi32, #tpu.memory_space<vmem>> -> memref<128xi32, #tpu.memory_space<vmem>>
        %dma_start3A_437 = arith.constant 0 : i32
        %dma_start3A_438 = arith.constant 0 : i32
        %dma_start3A_439 = tpu.memref_slice %arg7[%dma_start3A_437, %dma_start3A_438] : memref<500000x128xf32, #tpu.memory_space<hbm>> -> memref<500000x128xf32, #tpu.memory_space<hbm>>
        tpu.enqueue_indirect_dma source(%dma_start3A_439 : memref<500000x128xf32, #tpu.memory_space<hbm>>) target(%arg14 : memref<128x128xf32, #tpu.memory_space<vmem>>) offsets(%dma_start3A_436 : memref<128xi32, #tpu.memory_space<vmem>>) semaphore(%arg20 : memref<!tpu.dma_semaphore, #tpu.memory_space<semaphore_mem>>)
      } else {
      }
      %ge3A_310 = arith.constant 2 : i32
      %ge3A_311 = arith.cmpi sge, %add3A_296, %ge3A_310 : i32
      %convert_element_type3A_312 = arith.extui %ge3A_311 : i1 to i32
      %cond3A_313 = arith.constant 0 : i32
      %cond3A_314 = arith.cmpi ne, %convert_element_type3A_312, %cond3A_313 : i32
      scf.if %cond3A_314 {
        %dma_wait3A_432 = arith.constant 0 : i32
        %dma_wait3A_433 = arith.constant 0 : i32
        %dma_wait3A_434 = tpu.memref_slice %arg6[%dma_wait3A_432, %dma_wait3A_433] : memref<64x327680xf32, #tpu.memory_space<hbm>> -> memref<64x128xf32, #tpu.memory_space<hbm>>
        %dma_wait3A_435 = arith.constant 0 : i32
        %dma_wait3A_436 = arith.constant 0 : i32
        %dma_wait3A_437 = tpu.memref_slice %arg6[%dma_wait3A_435, %dma_wait3A_436] : memref<64x327680xf32, #tpu.memory_space<hbm>> -> memref<64x128xf32, #tpu.memory_space<hbm>>
        tpu.wait_dma2 semaphore(%arg21 : memref<!tpu.dma_semaphore, #tpu.memory_space<semaphore_mem>>) src(%arg17 : memref<64x128xf32, #tpu.memory_space<vmem>>) dst(%dma_wait3A_437 : memref<64x128xf32, #tpu.memory_space<hbm>>)
      } else {
      }
      %get3A_315 = arith.index_cast %add3A_296 : i32 to index
      %get3A_316 = arith.constant 0 : index
      %get3A_317 = tpu.vector_load %arg9[%get3A_315, %get3A_316] {strides = array<i32>} : memref<80x128xi32, #tpu.memory_space<vmem>>, vector<16xi32>,
      %get3A_318 = arith.index_cast %add3A_296 : i32 to index
      %get3A_319 = arith.constant 0 : index
      %get3A_320 = tpu.vector_load %arg8[%get3A_318, %get3A_319] {strides = array<i32>} : memref<80x128xi32, #tpu.memory_space<vmem>>, vector<16xi32>,
      %mul3A_321 = arith.constant 64 : i32
      %mul3A_322 = vector.broadcast %mul3A_321 : i32 to vector<16xi32>
      %mul3A_323 = arith.muli %get3A_317, %mul3A_322 : vector<16xi32>
      %mul3A_324 = arith.constant 2 : i32
      %mul3A_325 = vector.broadcast %mul3A_324 : i32 to vector<16xi32>
      %mul3A_326 = arith.muli %mul3A_325, %get3A_320 : vector<16xi32>
      %add3A_327 = arith.addi %mul3A_326, %get3A_317 : vector<16xi32>
      %get3A_328 = arith.index_cast %add3A_296 : i32 to index
      %get3A_329 = arith.constant 16 : index
      %get3A_330 = tpu.vector_load %arg9[%get3A_328, %get3A_329] {strides = array<i32>} : memref<80x128xi32, #tpu.memory_space<vmem>>, vector<16xi32>,
      %get3A_331 = arith.index_cast %add3A_296 : i32 to index
      %get3A_332 = arith.constant 16 : index
      %get3A_333 = tpu.vector_load %arg8[%get3A_331, %get3A_332] {strides = array<i32>} : memref<80x128xi32, #tpu.memory_space<vmem>>, vector<16xi32>,
      %mul3A_334 = arith.constant 64 : i32
      %mul3A_335 = vector.broadcast %mul3A_334 : i32 to vector<16xi32>
      %mul3A_336 = arith.muli %get3A_330, %mul3A_335 : vector<16xi32>
      %mul3A_337 = arith.constant 2 : i32
      %mul3A_338 = vector.broadcast %mul3A_337 : i32 to vector<16xi32>
      %mul3A_339 = arith.muli %mul3A_338, %get3A_333 : vector<16xi32>
      %add3A_340 = arith.addi %mul3A_339, %get3A_330 : vector<16xi32>
      %get3A_341 = arith.index_cast %add3A_296 : i32 to index
      %get3A_342 = arith.constant 32 : index
      %get3A_343 = tpu.vector_load %arg9[%get3A_341, %get3A_342] {strides = array<i32>} : memref<80x128xi32, #tpu.memory_space<vmem>>, vector<16xi32>,
      %get3A_344 = arith.index_cast %add3A_296 : i32 to index
      %get3A_345 = arith.constant 32 : index
      %get3A_346 = tpu.vector_load %arg8[%get3A_344, %get3A_345] {strides = array<i32>} : memref<80x128xi32, #tpu.memory_space<vmem>>, vector<16xi32>,
      %mul3A_347 = arith.constant 64 : i32
      %mul3A_348 = vector.broadcast %mul3A_347 : i32 to vector<16xi32>
      %mul3A_349 = arith.muli %get3A_343, %mul3A_348 : vector<16xi32>
      %mul3A_350 = arith.constant 2 : i32
      %mul3A_351 = vector.broadcast %mul3A_350 : i32 to vector<16xi32>
      %mul3A_352 = arith.muli %mul3A_351, %get3A_346 : vector<16xi32>
      %add3A_353 = arith.addi %mul3A_352, %get3A_343 : vector<16xi32>
      %get3A_354 = arith.index_cast %add3A_296 : i32 to index
      %get3A_355 = arith.constant 48 : index
      %get3A_356 = tpu.vector_load %arg9[%get3A_354, %get3A_355] {strides = array<i32>} : memref<80x128xi32, #tpu.memory_space<vmem>>, vector<16xi32>,
      %get3A_357 = arith.index_cast %add3A_296 : i32 to index
      %get3A_358 = arith.constant 48 : index
      %get3A_359 = tpu.vector_load %arg8[%get3A_357, %get3A_358] {strides = array<i32>} : memref<80x128xi32, #tpu.memory_space<vmem>>, vector<16xi32>,
      %mul3A_360 = arith.constant 64 : i32
      %mul3A_361 = vector.broadcast %mul3A_360 : i32 to vector<16xi32>
      %mul3A_362 = arith.muli %get3A_356, %mul3A_361 : vector<16xi32>
      %mul3A_363 = arith.constant 2 : i32
      %mul3A_364 = vector.broadcast %mul3A_363 : i32 to vector<16xi32>
      %mul3A_365 = arith.muli %mul3A_364, %get3A_359 : vector<16xi32>
      %add3A_366 = arith.addi %mul3A_365, %get3A_356 : vector<16xi32>
      %get3A_367 = arith.index_cast %add3A_296 : i32 to index
      %get3A_368 = arith.constant 64 : index
      %get3A_369 = tpu.vector_load %arg9[%get3A_367, %get3A_368] {strides = array<i32>} : memref<80x128xi32, #tpu.memory_space<vmem>>, vector<16xi32>,
      %get3A_370 = arith.index_cast %add3A_296 : i32 to index
      %get3A_371 = arith.constant 64 : index
      %get3A_372 = tpu.vector_load %arg8[%get3A_370, %get3A_371] {strides = array<i32>} : memref<80x128xi32, #tpu.memory_space<vmem>>, vector<16xi32>,
      %mul3A_373 = arith.constant 64 : i32
      %mul3A_374 = vector.broadcast %mul3A_373 : i32 to vector<16xi32>
      %mul3A_375 = arith.muli %get3A_369, %mul3A_374 : vector<16xi32>
      %mul3A_376 = arith.constant 2 : i32
      %mul3A_377 = vector.broadcast %mul3A_376 : i32 to vector<16xi32>
      %mul3A_378 = arith.muli %mul3A_377, %get3A_372 : vector<16xi32>
      %add3A_379 = arith.addi %mul3A_378, %get3A_369 : vector<16xi32>
      %get3A_380 = arith.index_cast %add3A_296 : i32 to index
      %get3A_381 = arith.constant 80 : index
      %get3A_382 = tpu.vector_load %arg9[%get3A_380, %get3A_381] {strides = array<i32>} : memref<80x128xi32, #tpu.memory_space<vmem>>, vector<16xi32>,
      %get3A_383 = arith.index_cast %add3A_296 : i32 to index
      %get3A_384 = arith.constant 80 : index
      %get3A_385 = tpu.vector_load %arg8[%get3A_383, %get3A_384] {strides = array<i32>} : memref<80x128xi32, #tpu.memory_space<vmem>>, vector<16xi32>,
      %mul3A_386 = arith.constant 64 : i32
      %mul3A_387 = vector.broadcast %mul3A_386 : i32 to vector<16xi32>
      %mul3A_388 = arith.muli %get3A_382, %mul3A_387 : vector<16xi32>
      %mul3A_389 = arith.constant 2 : i32
      %mul3A_390 = vector.broadcast %mul3A_389 : i32 to vector<16xi32>
      %mul3A_391 = arith.muli %mul3A_390, %get3A_385 : vector<16xi32>
      %add3A_392 = arith.addi %mul3A_391, %get3A_382 : vector<16xi32>
      %get3A_393 = arith.index_cast %add3A_296 : i32 to index
      %get3A_394 = arith.constant 96 : index
      %get3A_395 = tpu.vector_load %arg9[%get3A_393, %get3A_394] {strides = array<i32>} : memref<80x128xi32, #tpu.memory_space<vmem>>, vector<16xi32>,
      %get3A_396 = arith.index_cast %add3A_296 : i32 to index
      %get3A_397 = arith.constant 96 : index
      %get3A_398 = tpu.vector_load %arg8[%get3A_396, %get3A_397] {strides = array<i32>} : memref<80x128xi32, #tpu.memory_space<vmem>>, vector<16xi32>,
      %mul3A_399 = arith.constant 64 : i32
      %mul3A_400 = vector.broadcast %mul3A_399 : i32 to vector<16xi32>
      %mul3A_401 = arith.muli %get3A_395, %mul3A_400 : vector<16xi32>
      %mul3A_402 = arith.constant 2 : i32
      %mul3A_403 = vector.broadcast %mul3A_402 : i32 to vector<16xi32>
      %mul3A_404 = arith.muli %mul3A_403, %get3A_398 : vector<16xi32>
      %add3A_405 = arith.addi %mul3A_404, %get3A_395 : vector<16xi32>
      %get3A_406 = arith.index_cast %add3A_296 : i32 to index
      %get3A_407 = arith.constant 112 : index
      %get3A_408 = tpu.vector_load %arg9[%get3A_406, %get3A_407] {strides = array<i32>} : memref<80x128xi32, #tpu.memory_space<vmem>>, vector<16xi32>,
      %get3A_409 = arith.index_cast %add3A_296 : i32 to index
      %get3A_410 = arith.constant 112 : index
      %get3A_411 = tpu.vector_load %arg8[%get3A_409, %get3A_410] {strides = array<i32>} : memref<80x128xi32, #tpu.memory_space<vmem>>, vector<16xi32>,
      %mul3A_412 = arith.constant 64 : i32
      %mul3A_413 = vector.broadcast %mul3A_412 : i32 to vector<16xi32>
      %mul3A_414 = arith.muli %get3A_408, %mul3A_413 : vector<16xi32>
      %mul3A_415 = arith.constant 2 : i32
      %mul3A_416 = vector.broadcast %mul3A_415 : i32 to vector<16xi32>
      %mul3A_417 = arith.muli %mul3A_416, %get3A_411 : vector<16xi32>
      %add3A_418 = arith.addi %mul3A_417, %get3A_408 : vector<16xi32>
      %scan3A_419 = arith.constant 0 : i32
      %scan3A_420 = arith.constant 0 : i32
      %scan3A_421 = arith.constant 32 : i32
      %scan3A_422 = arith.addi %scan3A_420, %scan3A_421 : i32
      %scan3A_423 = arith.constant 1 : i32
      scf.for %scan3A_432 = %scan3A_420 to %scan3A_422 step %scan3A_423  : i32 {
        %mul3A_433 = arith.constant 2 : i32
        %mul3A_434 = arith.muli %mul3A_433, %scan3A_432 : i32
        %add3A_435 = arith.constant 0 : i32
        %add3A_436 = arith.addi %mul3A_434, %add3A_435 : i32
        %broadcast_in_dim3A = vector.broadcast %add3A_436 : i32 to vector<16xi32>
        %mul3A_437 = arith.constant 2 : i32
        %mul3A_438 = arith.muli %mul3A_437, %scan3A_432 : i32
        %add3A_439 = arith.constant 1 : i32
        %add3A_440 = arith.addi %mul3A_438, %add3A_439 : i32
        %broadcast_in_dim3A_441 = vector.broadcast %add3A_440 : i32 to vector<16xi32>
        %add3A_442 = arith.addi %broadcast_in_dim3A, %add3A_327 : vector<16xi32>
        %and3A_443 = arith.constant 63 : i32
        %and3A_444 = vector.broadcast %and3A_443 : i32 to vector<16xi32>
        %and3A_445 = arith.andi %add3A_442, %and3A_444 : vector<16xi32>
        %add3A_446 = arith.addi %mul3A_323, %and3A_445 : vector<16xi32>
        %gather3A = tpu.vector_load_idx %arg15[%add3A_75, %add3A_446] : memref<128x128xf32, #tpu.memory_space<vmem>>[vector<16xi32>, vector<16xi32>], vector<16xf32>,
        %add3A_447 = arith.addi %broadcast_in_dim3A, %add3A_340 : vector<16xi32>
        %and3A_448 = arith.constant 63 : i32
        %and3A_449 = vector.broadcast %and3A_448 : i32 to vector<16xi32>
        %and3A_450 = arith.andi %add3A_447, %and3A_449 : vector<16xi32>
        %add3A_451 = arith.addi %mul3A_336, %and3A_450 : vector<16xi32>
        %gather3A_452 = tpu.vector_load_idx %arg15[%add3A_78, %add3A_451] : memref<128x128xf32, #tpu.memory_space<vmem>>[vector<16xi32>, vector<16xi32>], vector<16xf32>,
        %add3A_453 = arith.addi %broadcast_in_dim3A, %add3A_353 : vector<16xi32>
        %and3A_454 = arith.constant 63 : i32
        %and3A_455 = vector.broadcast %and3A_454 : i32 to vector<16xi32>
        %and3A_456 = arith.andi %add3A_453, %and3A_455 : vector<16xi32>
        %add3A_457 = arith.addi %mul3A_349, %and3A_456 : vector<16xi32>
        %gather3A_458 = tpu.vector_load_idx %arg15[%add3A_81, %add3A_457] : memref<128x128xf32, #tpu.memory_space<vmem>>[vector<16xi32>, vector<16xi32>], vector<16xf32>,
        %add3A_459 = arith.addi %broadcast_in_dim3A, %add3A_366 : vector<16xi32>
        %and3A_460 = arith.constant 63 : i32
        %and3A_461 = vector.broadcast %and3A_460 : i32 to vector<16xi32>
        %and3A_462 = arith.andi %add3A_459, %and3A_461 : vector<16xi32>
        %add3A_463 = arith.addi %mul3A_362, %and3A_462 : vector<16xi32>
        %gather3A_464 = tpu.vector_load_idx %arg15[%add3A_84, %add3A_463] : memref<128x128xf32, #tpu.memory_space<vmem>>[vector<16xi32>, vector<16xi32>], vector<16xf32>,
        %add3A_465 = arith.addi %broadcast_in_dim3A, %add3A_379 : vector<16xi32>
        %and3A_466 = arith.constant 63 : i32
        %and3A_467 = vector.broadcast %and3A_466 : i32 to vector<16xi32>
        %and3A_468 = arith.andi %add3A_465, %and3A_467 : vector<16xi32>
        %add3A_469 = arith.addi %mul3A_375, %and3A_468 : vector<16xi32>
        %gather3A_470 = tpu.vector_load_idx %arg15[%add3A_87, %add3A_469] : memref<128x128xf32, #tpu.memory_space<vmem>>[vector<16xi32>, vector<16xi32>], vector<16xf32>,
        %add3A_471 = arith.addi %broadcast_in_dim3A, %add3A_392 : vector<16xi32>
        %and3A_472 = arith.constant 63 : i32
        %and3A_473 = vector.broadcast %and3A_472 : i32 to vector<16xi32>
        %and3A_474 = arith.andi %add3A_471, %and3A_473 : vector<16xi32>
        %add3A_475 = arith.addi %mul3A_388, %and3A_474 : vector<16xi32>
        %gather3A_476 = tpu.vector_load_idx %arg15[%add3A_90, %add3A_475] : memref<128x128xf32, #tpu.memory_space<vmem>>[vector<16xi32>, vector<16xi32>], vector<16xf32>,
        %add3A_477 = arith.addi %broadcast_in_dim3A, %add3A_405 : vector<16xi32>
        %and3A_478 = arith.constant 63 : i32
        %and3A_479 = vector.broadcast %and3A_478 : i32 to vector<16xi32>
        %and3A_480 = arith.andi %add3A_477, %and3A_479 : vector<16xi32>
        %add3A_481 = arith.addi %mul3A_401, %and3A_480 : vector<16xi32>
        %gather3A_482 = tpu.vector_load_idx %arg15[%add3A_93, %add3A_481] : memref<128x128xf32, #tpu.memory_space<vmem>>[vector<16xi32>, vector<16xi32>], vector<16xf32>,
        %add3A_483 = arith.addi %broadcast_in_dim3A, %add3A_418 : vector<16xi32>
        %and3A_484 = arith.constant 63 : i32
        %and3A_485 = vector.broadcast %and3A_484 : i32 to vector<16xi32>
        %and3A_486 = arith.andi %add3A_483, %and3A_485 : vector<16xi32>
        %add3A_487 = arith.addi %mul3A_414, %and3A_486 : vector<16xi32>
        %gather3A_488 = tpu.vector_load_idx %arg15[%add3A_96, %add3A_487] : memref<128x128xf32, #tpu.memory_space<vmem>>[vector<16xi32>, vector<16xi32>], vector<16xf32>,
        %add3A_489 = arith.addi %broadcast_in_dim3A_441, %add3A_327 : vector<16xi32>
        %and3A_490 = arith.constant 63 : i32
        %and3A_491 = vector.broadcast %and3A_490 : i32 to vector<16xi32>
        %and3A_492 = arith.andi %add3A_489, %and3A_491 : vector<16xi32>
        %add3A_493 = arith.addi %mul3A_323, %and3A_492 : vector<16xi32>
        %gather3A_494 = tpu.vector_load_idx %arg15[%add3A_75, %add3A_493] : memref<128x128xf32, #tpu.memory_space<vmem>>[vector<16xi32>, vector<16xi32>], vector<16xf32>,
        %add3A_495 = arith.addi %broadcast_in_dim3A_441, %add3A_340 : vector<16xi32>
        %and3A_496 = arith.constant 63 : i32
        %and3A_497 = vector.broadcast %and3A_496 : i32 to vector<16xi32>
        %and3A_498 = arith.andi %add3A_495, %and3A_497 : vector<16xi32>
        %add3A_499 = arith.addi %mul3A_336, %and3A_498 : vector<16xi32>
        %gather3A_500 = tpu.vector_load_idx %arg15[%add3A_78, %add3A_499] : memref<128x128xf32, #tpu.memory_space<vmem>>[vector<16xi32>, vector<16xi32>], vector<16xf32>,
        %add3A_501 = arith.addi %broadcast_in_dim3A_441, %add3A_353 : vector<16xi32>
        %and3A_502 = arith.constant 63 : i32
        %and3A_503 = vector.broadcast %and3A_502 : i32 to vector<16xi32>
        %and3A_504 = arith.andi %add3A_501, %and3A_503 : vector<16xi32>
        %add3A_505 = arith.addi %mul3A_349, %and3A_504 : vector<16xi32>
        %gather3A_506 = tpu.vector_load_idx %arg15[%add3A_81, %add3A_505] : memref<128x128xf32, #tpu.memory_space<vmem>>[vector<16xi32>, vector<16xi32>], vector<16xf32>,
        %add3A_507 = arith.addi %broadcast_in_dim3A_441, %add3A_366 : vector<16xi32>
        %and3A_508 = arith.constant 63 : i32
        %and3A_509 = vector.broadcast %and3A_508 : i32 to vector<16xi32>
        %and3A_510 = arith.andi %add3A_507, %and3A_509 : vector<16xi32>
        %add3A_511 = arith.addi %mul3A_362, %and3A_510 : vector<16xi32>
        %gather3A_512 = tpu.vector_load_idx %arg15[%add3A_84, %add3A_511] : memref<128x128xf32, #tpu.memory_space<vmem>>[vector<16xi32>, vector<16xi32>], vector<16xf32>,
        %add3A_513 = arith.addi %broadcast_in_dim3A_441, %add3A_379 : vector<16xi32>
        %and3A_514 = arith.constant 63 : i32
        %and3A_515 = vector.broadcast %and3A_514 : i32 to vector<16xi32>
        %and3A_516 = arith.andi %add3A_513, %and3A_515 : vector<16xi32>
        %add3A_517 = arith.addi %mul3A_375, %and3A_516 : vector<16xi32>
        %gather3A_518 = tpu.vector_load_idx %arg15[%add3A_87, %add3A_517] : memref<128x128xf32, #tpu.memory_space<vmem>>[vector<16xi32>, vector<16xi32>], vector<16xf32>,
        %add3A_519 = arith.addi %broadcast_in_dim3A_441, %add3A_392 : vector<16xi32>
        %and3A_520 = arith.constant 63 : i32
        %and3A_521 = vector.broadcast %and3A_520 : i32 to vector<16xi32>
        %and3A_522 = arith.andi %add3A_519, %and3A_521 : vector<16xi32>
        %add3A_523 = arith.addi %mul3A_388, %and3A_522 : vector<16xi32>
        %gather3A_524 = tpu.vector_load_idx %arg15[%add3A_90, %add3A_523] : memref<128x128xf32, #tpu.memory_space<vmem>>[vector<16xi32>, vector<16xi32>], vector<16xf32>,
        %add3A_525 = arith.addi %broadcast_in_dim3A_441, %add3A_405 : vector<16xi32>
        %and3A_526 = arith.constant 63 : i32
        %and3A_527 = vector.broadcast %and3A_526 : i32 to vector<16xi32>
        %and3A_528 = arith.andi %add3A_525, %and3A_527 : vector<16xi32>
        %add3A_529 = arith.addi %mul3A_401, %and3A_528 : vector<16xi32>
        %gather3A_530 = tpu.vector_load_idx %arg15[%add3A_93, %add3A_529] : memref<128x128xf32, #tpu.memory_space<vmem>>[vector<16xi32>, vector<16xi32>], vector<16xf32>,
        %add3A_531 = arith.addi %broadcast_in_dim3A_441, %add3A_418 : vector<16xi32>
        %and3A_532 = arith.constant 63 : i32
        %and3A_533 = vector.broadcast %and3A_532 : i32 to vector<16xi32>
        %and3A_534 = arith.andi %add3A_531, %and3A_533 : vector<16xi32>
        %add3A_535 = arith.addi %mul3A_414, %and3A_534 : vector<16xi32>
        %gather3A_536 = tpu.vector_load_idx %arg15[%add3A_96, %add3A_535] : memref<128x128xf32, #tpu.memory_space<vmem>>[vector<16xi32>, vector<16xi32>], vector<16xf32>,
        tpu.vector_store_idx %arg17[%broadcast_in_dim3A, %add3A_75], %gather3A : memref<64x128xf32, #tpu.memory_space<vmem>>[vector<16xi32>, vector<16xi32>], vector<16xf32>,
        tpu.vector_store_idx %arg17[%broadcast_in_dim3A, %add3A_78], %gather3A_452 : memref<64x128xf32, #tpu.memory_space<vmem>>[vector<16xi32>, vector<16xi32>], vector<16xf32>,
        tpu.vector_store_idx %arg17[%broadcast_in_dim3A, %add3A_81], %gather3A_458 : memref<64x128xf32, #tpu.memory_space<vmem>>[vector<16xi32>, vector<16xi32>], vector<16xf32>,
        tpu.vector_store_idx %arg17[%broadcast_in_dim3A, %add3A_84], %gather3A_464 : memref<64x128xf32, #tpu.memory_space<vmem>>[vector<16xi32>, vector<16xi32>], vector<16xf32>,
        tpu.vector_store_idx %arg17[%broadcast_in_dim3A, %add3A_87], %gather3A_470 : memref<64x128xf32, #tpu.memory_space<vmem>>[vector<16xi32>, vector<16xi32>], vector<16xf32>,
        tpu.vector_store_idx %arg17[%broadcast_in_dim3A, %add3A_90], %gather3A_476 : memref<64x128xf32, #tpu.memory_space<vmem>>[vector<16xi32>, vector<16xi32>], vector<16xf32>,
        tpu.vector_store_idx %arg17[%broadcast_in_dim3A, %add3A_93], %gather3A_482 : memref<64x128xf32, #tpu.memory_space<vmem>>[vector<16xi32>, vector<16xi32>], vector<16xf32>,
        tpu.vector_store_idx %arg17[%broadcast_in_dim3A, %add3A_96], %gather3A_488 : memref<64x128xf32, #tpu.memory_space<vmem>>[vector<16xi32>, vector<16xi32>], vector<16xf32>,
        tpu.vector_store_idx %arg17[%broadcast_in_dim3A_441, %add3A_75], %gather3A_494 : memref<64x128xf32, #tpu.memory_space<vmem>>[vector<16xi32>, vector<16xi32>], vector<16xf32>,
        tpu.vector_store_idx %arg17[%broadcast_in_dim3A_441, %add3A_78], %gather3A_500 : memref<64x128xf32, #tpu.memory_space<vmem>>[vector<16xi32>, vector<16xi32>], vector<16xf32>,
        tpu.vector_store_idx %arg17[%broadcast_in_dim3A_441, %add3A_81], %gather3A_506 : memref<64x128xf32, #tpu.memory_space<vmem>>[vector<16xi32>, vector<16xi32>], vector<16xf32>,
        tpu.vector_store_idx %arg17[%broadcast_in_dim3A_441, %add3A_84], %gather3A_512 : memref<64x128xf32, #tpu.memory_space<vmem>>[vector<16xi32>, vector<16xi32>], vector<16xf32>,
        tpu.vector_store_idx %arg17[%broadcast_in_dim3A_441, %add3A_87], %gather3A_518 : memref<64x128xf32, #tpu.memory_space<vmem>>[vector<16xi32>, vector<16xi32>], vector<16xf32>,
        tpu.vector_store_idx %arg17[%broadcast_in_dim3A_441, %add3A_90], %gather3A_524 : memref<64x128xf32, #tpu.memory_space<vmem>>[vector<16xi32>, vector<16xi32>], vector<16xf32>,
        tpu.vector_store_idx %arg17[%broadcast_in_dim3A_441, %add3A_93], %gather3A_530 : memref<64x128xf32, #tpu.memory_space<vmem>>[vector<16xi32>, vector<16xi32>], vector<16xf32>,
        tpu.vector_store_idx %arg17[%broadcast_in_dim3A_441, %add3A_96], %gather3A_536 : memref<64x128xf32, #tpu.memory_space<vmem>>[vector<16xi32>, vector<16xi32>], vector<16xf32>,
      }
      %scan3A_424 = arith.constant 32 : i32
      %mul3A_425 = arith.constant 128 : i32
      %mul3A_426 = arith.muli %add3A_296, %mul3A_425 : i32
      %add3A_427 = arith.addi %mul3A_2, %mul3A_426 : i32
      %dma_start3A_428 = arith.constant 0 : i32
      %dma_start3A_429 = tpu.memref_slice %arg6[%dma_start3A_428, %add3A_427] : memref<64x327680xf32, #tpu.memory_space<hbm>> -> memref<64x128xf32, #tpu.memory_space<hbm>>
      %dma_start3A_430 = arith.constant 0 : i32
      %dma_start3A_431 = tpu.memref_slice %arg6[%dma_start3A_430, %add3A_427] : memref<64x327680xf32, #tpu.memory_space<hbm>> -> memref<64x128xf32, #tpu.memory_space<hbm>>
      tpu.enqueue_dma source(%arg17 : memref<64x128xf32, #tpu.memory_space<vmem>>) target(%dma_start3A_431 : memref<64x128xf32, #tpu.memory_space<hbm>>) target_semaphore(%arg21 : memref<!tpu.dma_semaphore, #tpu.memory_space<semaphore_mem>>)
    }
    %scan3A_143 = arith.constant 40 : i32
    %dma_wait3A = arith.constant 0 : i32
    %dma_wait3A_144 = arith.constant 0 : i32
    %dma_wait3A_145 = tpu.memref_slice %arg6[%dma_wait3A, %dma_wait3A_144] : memref<64x327680xf32, #tpu.memory_space<hbm>> -> memref<64x128xf32, #tpu.memory_space<hbm>>
    %dma_wait3A_146 = arith.constant 0 : i32
    %dma_wait3A_147 = arith.constant 0 : i32
    %dma_wait3A_148 = tpu.memref_slice %arg6[%dma_wait3A_146, %dma_wait3A_147] : memref<64x327680xf32, #tpu.memory_space<hbm>> -> memref<64x128xf32, #tpu.memory_space<hbm>>
    tpu.wait_dma2 semaphore(%arg21 : memref<!tpu.dma_semaphore, #tpu.memory_space<semaphore_mem>>) src(%arg16 : memref<64x128xf32, #tpu.memory_space<vmem>>) dst(%dma_wait3A_148 : memref<64x128xf32, #tpu.memory_space<hbm>>)
    %dma_wait3A_149 = arith.constant 0 : i32
    %dma_wait3A_150 = arith.constant 0 : i32
    %dma_wait3A_151 = tpu.memref_slice %arg6[%dma_wait3A_149, %dma_wait3A_150] : memref<64x327680xf32, #tpu.memory_space<hbm>> -> memref<64x128xf32, #tpu.memory_space<hbm>>
    %dma_wait3A_152 = arith.constant 0 : i32
    %dma_wait3A_153 = arith.constant 0 : i32
    %dma_wait3A_154 = tpu.memref_slice %arg6[%dma_wait3A_152, %dma_wait3A_153] : memref<64x327680xf32, #tpu.memory_space<hbm>> -> memref<64x128xf32, #tpu.memory_space<hbm>>
    tpu.wait_dma2 semaphore(%arg21 : memref<!tpu.dma_semaphore, #tpu.memory_space<semaphore_mem>>) src(%arg17 : memref<64x128xf32, #tpu.memory_space<vmem>>) dst(%dma_wait3A_154 : memref<64x128xf32, #tpu.memory_space<hbm>>)
    return
  }
}

</mosaic_0001>

<sc_bundles>
// kernel: kernel.3.cloned.1.call-start
scs
__scs_entry_jumppad:
0x0: {  	(pc) =	sbr.rel $0x88, $3  }
0x1: {  	(tag) =	ssettag $0x0;
	lr =	simm.s32 $0x1  }
0x2: {  	[smem:$0x3F9F] =	sst lr;
	_ =	strace $0xD0000000  }
0x3: {  	_ = 	snop  }
0x4: {  	_ = 	snop  }
0x5: {  	_ = 	snop  }
0x6: {  	_ = 	snop  }
0x7: {  	_ = 	snop  }
__scs_overlays_trampoline_lowered:
0x8: {  	[smem:$0x3FAE] =	sst s0  }
0x9: {  	[smem:$0x3FAF] =	sst s1  }
0xa: {  	[smem:$0x3FB0] =	sst s2  }
0xb: {  	[smem:$0x3FB1] =	sst s3  }
0xc: {  	[smem:$0x3FB2] =	sst s4  }
0xd: {  	[smem:$0x3FB3] =	sst s5  }
0xe: {  	[smem:$0x3FB4] =	sst s6  }
0xf: {  	[smem:$0x3FB5] =	sst s7  }
0x10: {  	[smem:$0x3FB6] =	sst s8  }
0x11: {  	[smem:$0x3FB7] =	sst s9;
	s0 =	simm.s32 @!p0 $0x0  }
0x12: {  	s1 =	sld [smem:$0x3F9D];
	s0 =	simm.s32 @p0 $0x1  }
0x13: {  	[smem:$0x3FB8] =	sst s0;
	s0 =	simm.s32 @!p1 $0x0  }
0x14: {  	s2 =	sld [smem:$0x3F9C];
	s0 =	simm.s32 @p1 $0x1  }
0x15: {  	[smem:$0x3FB9] =	sst s0;
	s0 =	simm.s32 @!p2 $0x0  }
0x16: {  	s3 =	sld [smem:$0x3FDB];
	s0 =	simm.s32 @p2 $0x1  }
0x17: {  	s4 =	simm.s32 $0x1BF5;
	[smem:$0x3FBB] =	sst s0  }
0x18: {  	s0 =	sld [smem:$0x3F9E];
	_ =	swait.ge [sflag:s4], $0x0  }
0x19: {  	s7 =	sld [smem:$0x3F9F]  }
0x1a: {  	s8 =	sadd.s32 $0xFFFFE003, lr  }
0x1b: {  	s9 =	sadd.s32 $0xFFFFFEF7, lr;
	s5 =	simm.s32 $0xFFFFFFFF;
	p2 =	slt.u32 s8, $0xFFFFF086  }
0x1c: {  	p1 =	slt.u32 s9, $0xF7A;
	s5 =	simm.s32 @!p2 $0x0  }
0x1d: {  	s5 =	simm.s32 @p1 $0x1;
	p0 =	seq.s32 s7, s2  }
0x1e: {  	s7 =	smul.u32 @!p0 $0xF7A, s2;
	p2 =	seq.s32 @!p0 s5, $0x0  }
0x1f: {  	s9 =	smul.u32 $0xF7A, s1;
	s8 =	simm.s32 @!p0 $0x1BF5;
	p2 =	por !p2, p0  }
0x20: {  	[sflag:s8] =	ssyncset.s32 @!p0 $0xFFFFF086;
	s6 =	sadd.s32 @!p0 s3, s7;
	s7 =	simm.s32 @!p0 $0x108  }
0x21: {  	s3 =	sadd.s32 s3, s9;
	s6 =	sadd.s32 @!p0 $0x88, s6;
	s7 =	simm.s32 @p2 $0x1082  }
0x22: {  	[simem:s7], [sflag:s8] =	dma.local @!p0 [hbm:s6], $0xF7A  }
0x23: {  	s9 =	sor.u32 $0xD0000000, s2;
	s6 =	simm.s32 $0x108;
	_ =	swait.ge @!p0 [sflag:s8], $0x0  }
0x24: {  	s3 =	sadd.s32 $0x88, s3;
	s6 =	simm.s32 @!p1 $0x1082;
	[sflag:s4] =	ssyncset.s32 $0xFFFFF086  }
0x25: {  	[simem:s6], [sflag:s4] =	dma.local [hbm:s3], $0xF7A  }
0x26: {  	[smem:$0x3F9F] =	sst s1;
	(tag) =	ssettag s2;
	_ =	strace s9  }
0x27: {  	s1 =	sld [smem:$0x3FAF]  }
0x28: {  	s2 =	sld [smem:$0x3FB0]  }
0x29: {  	s4 =	sld [smem:$0x3FB2]  }
0x2a: {  	p0 =	seq.s32 s5, $0x0;
	s5 =	sld [smem:$0x3FB3]  }
0x2b: {  	s6 =	sld [smem:$0x3FB4]  }
0x2c: {  	s7 =	sld [smem:$0x3FB5]  }
0x2d: {  	s3 =	simm.s32 $0x108;
	s8 =	sld [smem:$0x3FB6]  }
0x2e: {  	s3 =	simm.s32 @!p0 $0x1082;
	s9 =	sld [smem:$0x3FB7]  }
0x2f: {  	lr =	sadd.s32 s0, s3;
	s0 =	sld [smem:$0x3FAE]  }
0x30: {  	s3 =	sld [smem:$0x3FB1]  }
0x31: {  	[smem:$0x3FBA] =	sst s10  }
0x32: {  	s10 =	sld [smem:$0x3FB8];
	_ =	sdelay $0x3  }
0x33: {  	p0 =	seq.s32 s10, $0x1;
	s10 =	sld [smem:$0x3FBA];
	_ =	sdelay $0x3  }
0x34: {  	[smem:$0x3FBA] =	sst s10  }
0x35: {  	s10 =	sld [smem:$0x3FB9];
	_ =	sdelay $0x3  }
0x36: {  	p1 =	seq.s32 s10, $0x1;
	s10 =	sld [smem:$0x3FBA];
	_ =	sdelay $0x3  }
0x37: {  	[smem:$0x3FBA] =	sst s10  }
0x38: {  	s10 =	sld [smem:$0x3FBB]  }
0x39: {  	_ = 	snop;
	(pc) =	sbr.ind lr, $3  }
0x3a: {  	_ = 	snop  }
0x3b: {  	_ = 	snop  }
0x3c: {  	p2 =	seq.s32 s10, $0x1;
	s10 =	sld [smem:$0x3FBA]  }
0x3d: {  	_ =	shalt  }
0x3e: {  	_ =	shalt  }
0x3f: {  	_ =	shalt  }
0x40: {  	_ =	shalt  }
0x41: {  	_ =	shalt  }
0x42: {  	_ =	shalt  }
0x43: {  	_ =	shalt  }
0x44: {  	_ =	shalt  }
0x45: {  	_ =	shalt  }
0x46: {  	_ =	shalt  }
0x47: {  	_ =	shalt  }
0x48: {  	_ =	shalt  }
0x49: {  	_ =	shalt  }
0x4a: {  	_ =	shalt  }
0x4b: {  	_ =	shalt  }
0x4c: {  	_ =	shalt  }
0x4d: {  	_ =	shalt  }
0x4e: {  	_ =	shalt  }
0x4f: {  	_ =	shalt  }
0x50: {  	_ =	shalt  }
0x51: {  	_ =	shalt  }
0x52: {  	_ =	shalt  }
0x53: {  	_ =	shalt  }
0x54: {  	_ =	shalt  }
0x55: {  	_ =	shalt  }
0x56: {  	_ =	shalt  }
0x57: {  	_ =	shalt  }
0x58: {  	_ =	shalt  }
0x59: {  	_ =	shalt  }
0x5a: {  	_ =	shalt  }
0x5b: {  	_ =	shalt  }
0x5c: {  	_ =	shalt  }
0x5d: {  	_ =	shalt  }
0x5e: {  	_ =	shalt  }
0x5f: {  	_ =	shalt  }
0x60: {  	_ =	shalt  }
0x61: {  	_ =	shalt  }
0x62: {  	_ =	shalt  }
0x63: {  	_ =	shalt  }
0x64: {  	_ =	shalt  }
0x65: {  	_ =	shalt  }
0x66: {  	_ =	shalt  }
0x67: {  	_ =	shalt  }
0x68: {  	_ =	shalt  }
0x69: {  	_ =	shalt  }
0x6a: {  	_ =	shalt  }
0x6b: {  	_ =	shalt  }
0x6c: {  	_ =	shalt  }
0x6d: {  	_ =	shalt  }
0x6e: {  	_ =	shalt  }
0x6f: {  	_ =	shalt  }
0x70: {  	_ =	shalt  }
0x71: {  	_ =	shalt  }
0x72: {  	_ =	shalt  }
0x73: {  	_ =	shalt  }
0x74: {  	_ =	shalt  }
0x75: {  	_ =	shalt  }
0x76: {  	_ =	shalt  }
0x77: {  	_ =	shalt  }
0x78: {  	_ =	shalt  }
0x79: {  	_ =	shalt  }
0x7a: {  	_ =	shalt  }
0x7b: {  	_ =	shalt  }
0x7c: {  	_ =	shalt  }
0x7d: {  	_ =	shalt  }
0x7e: {  	_ =	shalt  }
0x7f: {  	_ =	shalt  }
0x80: {  	_ =	shalt  }
0x81: {  	_ =	shalt  }
0x82: {  	_ =	shalt  }
0x83: {  	_ =	shalt  }
0x84: {  	_ =	shalt  }
0x85: {  	_ =	shalt  }
0x86: {  	_ =	shalt  }
0x87: {  	_ =	shalt  }
.Lfunc_end0:
.L_simem_size_0:
called_computation_lowered:
.L_overlay_start_0:
0x88: {  	s2 =	sld [smem:$0x3FD9]  }
0x89: {  	s3 =	sld [smem:$0x3FFE];
	_ =	sdelay $0x1  }
0x8a: {  	s1 =	srdreg.scid  }
0x8b: {  	s0 =	sand.u32 $0x1, s1  }
0x8c: {  	s17 =	sshll.u32 s0, $0xA;
	s2 =	sadd.s32 s3, s2  }
0x8d: {  	s2 =	sadd.s32 s2, s17  }
0x8e: {  	[smem:$0x3FC6] =	sst s2  }
0x8f: {  	_ = 	snop  }
0x90: {  	s2 =	sld [smem:$0x3FC8]  }
0x91: {  	s18 =	sld [smem:$0x3FD0];
	(tm) =	ssettm $0x1  }
0x92: {  	s4 =	sld [smem:$0x3FFB];
	_ =	sdelay $0x3  }
0x93: {  	_ =	strace s4  }
0x94: {  	s4 =	sld [smem:$0x3FFC];
	_ =	sdelay $0x3  }
0x95: {  	_ =	strace s4  }
0x96: {  	s4 =	sld [smem:$0x3FFD];
	_ =	sdelay $0x3  }
0x97: {  	_ =	strace s4  }
0x98: {  	_ =	strace $0x8FFFFFFF  }
0x99: {  	s19 =	sld [smem:$0x3FDB];
	_ =	sdelay $0x1  }
0x9a: {  	s5 =	simm.s32 $_scs_section_size  }
0x9b: {  	s6 =	simm.s32 $_size__tile_overlayer_lowered;
	s7 =	simm.s32 $_tile_overlayer_lowered  }
0x9c: {  	s22 =	simm.s32 $0x1BFF;
	s21 =	sshll.u32 s7, $0x1;
	s4 =	sadd.s32 s5, s19  }
0x9d: {  	s8 =	simm.s32 $0x0;
	s20 =	sshll.u32 s6, $0x1;
	s6 =	sadd.s32 s21, s4  }
0x9e: {  	[timem:s8], [sflag:s22] =	dma.local [hbm:s6], s20  }
0x9f: {  	_ =	swait.ge [sflag:s22], s20  }
0xa0: {  	s5 =	ssub.s32 $0x0, s20;
	[sflag:s22] =	ssyncset.done $0x0  }
0xa1: {  	[sflag:s22] =	ssyncadd.s32 s5;
	_ =	sdelay $0x1  }
0xa2: {  	s23 =	simm.s32 $0x1B8B  }
0xa3: {  	_ =	swait.ge [sflag:s23], $0x1  }
0xa4: {  	[sflag:s23] =	ssyncset.done $0x0  }
0xa5: {  	s25 =	simm.s32 $0x1B8E;
	s24 =	sld [smem:$0x3FFE];
	[sflag:s23] =	ssyncadd.s32 $0xFFFFFFFF  }
0xa6: {  	s26 =	simm.s32 $execute0_lowered;
	[smem:$0x3FD2] =	sst s25  }
0xa7: {  	s6 =	sshll.u32 s26, $0x1;
	_ =	strace $0x80000046;
	[dreg:$0x1] =	wrdreg $0xFFFFFFFF  }
0xa8: {  	s28 =	simm.s32 $_size_execute0_lowered;
	s4 =	sadd.s32 s4, s6;
	[dreg:$0x0] =	wrdreg $0x0  }
0xa9: {  	s6 =	sshll.u32 s28, $0x1;
	[dreg:$0x2] =	wrdreg s4  }
0xaa: {  	[dreg:$0x3] =	wrdreg s6  }
0xab: {  	[dreg:$0x4] =	wrdreg $0xC0  }
0xac: {  	_ =	task [dreg:s8], $0x5FFFF  }
0xad: {  	[dreg:$0x1] =	wrdreg $0xFFFFFFFF  }
0xae: {  	[dreg:$0x0] =	wrdreg $0x60  }
0xaf: {  	[dreg:$0x2] =	wrdreg s24  }
0xb0: {  	[dreg:$0x3] =	wrdreg s2  }
0xb1: {  	[dreg:$0x4] =	wrdreg s18  }
0xb2: {  	[dreg:$0x5] =	wrdreg $0x9  }
0xb3: {  	_ =	task.clear_ibuf [dreg:s8], $0x6FFFF;
	_ =	strace $0x90000046  }
0xb4: {  	s29 =	simm.s32 $0x9;
	_ =	strace $0x80000049  }
0xb5: {  	_ =	swait.ge [sflag:s29], $0x1  }
0xb6: {  	[sflag:s29] =	ssyncadd.s32 $0xFFFFFFFF  }
0xb7: {  	_ =	strace $0x90000049  }
0xb8: {  	_ =	sfence  }
0xb9: {  	s30 =	sld [smem:$0x0];
	_ =	sdelay $0x2  }
0xba: {  	s31 =	sshll.u32 s1, $0xD;
	s1 =	sshrl.u32 s1, $0x2  }
0xbb: {  	s3 =	sand.u32 $0x4000, s31;
	s1 =	sadd.s32 s1, s30  }
0xbc: {  	s0 =	sor.u32 s3, s0;
	s1 =	sshll.u32 s1, $0x11  }
0xbd: {  	s0 =	sor.u32 s1, s0  }
0xbe: {  	s0 =	sadd.s32 $0x8F2B, s0  }
0xbf: {  	[sflag:s0] =	ssyncadd.remote.s32 $0x1  }
0xc0: {  	_ =	sfence.sel $0xFFFF  }
0xc1: {  	[dreg:$0x0] =	wrdreg $0xFFFFFFFF;
	(pc) =	sbr.abs _section_cstart, $3  }
0xc2: {  	[dreg:$0x1] =	wrdreg $0xFFFFFFFF  }
0xc3: {  	_ =	task.clear_ibuf [dreg:s8], $0x2FFFF;
	_ =	strace $0x9FFFFFFF  }
0xc4: {  	(tm) =	ssettm $0x7FFFFFFF  }
0xc5: {  	_ =	shalt  }
tec
execute0_lowered:
.L_overlay_start_1:
0x0: {  	(tag) =	ssettag $0x1  }
0x1: {  	s0 =	srdreg.scid;
	s1 =	rddreg [dreg:$0x0]  }
0x2: {  	s2 =	stileid.u32;
	s4 =	rddreg [dreg:$0x2];
	s5 =	simm.s32 $0x0  }
0x3: {  	s19 =	simm.s32 $0x400;
	s21 =	simm.s32 $0x5000;
	s22 =	simm.s32 $0x1  }
0x4: {  	s31 =	simm.s32 $0x80;
	s18 =	simm.s32 $0x3;
	s20 =	simm.s32 $0x11000  }
0x5: {  	s29 =	simm.s32 $0x280000;
	s3 =	sshll.u32 s2, $0x1;
	s2 =	rddreg [dreg:$0x1]  }
0x6: {  	s12 =	simm.s32 $0x17000;
	s6 =	sand.u32 $0x1, s0;
	[smem:$0x7FF] =	sst s5  }
0x7: {  	s23 =	sadd.s32 $0xA00, s1;
	s28 =	sshrl.u32 s0, $0x2;
	s0 =	sand.u32 $0x3, s0  }
0x8: {  	s3 =	sor.u32 s6, s3;
	_ =	strace $0x80000047;
	[dreg:$0x4] =	wrdreg s23  }
0x9: {  	s6 =	ssub.s32 $0x2, s6;
	s11 =	sadd.s32 $0x2000, s2;
	[dreg:$0x9] =	wrdreg s28  }
0xa: {  	s0 =	sxor.u32 $0x5, s0;
	s23 =	simm.s32 $0x9000;
	s8 =	smul.u32 $0x2800, s3  }
0xb: {  	v0 =	vlaneseq.u32;
	s10 =	sshrl.u32 s6, $0x1;
	s25 =	sshll.u32 s3, $0x7;
	s14 =	smul.u32 $0x14000, s3  }
0xc: {  	v1 =	vor.u32 $0x10, v0;
	v2 =	vor.u32 $0x20, v0;
	p0 =	sne.s32 s3, $0x4;
	s0 =	sshll.u32 s0, $0xE;
	s6 =	ssub.s32 s6, s10  }
0xd: {  	v3 =	vor.u32 $0x30, v0;
	v4 =	vor.u32 $0x40, v0;
	v5 =	vmul.u32 $0x40, v0;
	s26 =	sadd.s32 s2, s25;
	[dreg:$0xb] =	wrdreg s0;
	s0 =	simm.s32 $0x4  }
0xe: {  	v6 =	vor.u32 $0x50, v0;
	v7 =	vor.u32 $0x60, v0;
	v8 =	vor.u32 $0x70, v0;
	s7 =	sshrl.u32 s8, $0x3;
	[dreg:$0x7] =	wrdreg s26;
	s15 =	sadd.s32 s4, s8  }
0xf: {  	v11 =	vmul.u32 $0x80, v0;
	v9 =	vor.u32 $0x400, v5;
	v10 =	vor.u32 $0x800, v5;
	s30 =	smax.u32 s6, $0x1;
	s26 =	simm.s32 $0xB000;
	s9 =	sadd.s32 s7, s1  }
0x10: {  	v12 =	vor.u32 $0xC00, v5;
	v13 =	vor.u32 $0x1000, v5;
	v14 =	vor.u32 $0x1400, v5;
	s7 =	sadd.s32 $0x14C00, s1;
	s1 =	sadd.s32 $0x7B5C00, s1;
	[dreg:$0xa] =	wrdreg s30  }
0x11: {  	v15 =	vor.u32 $0x1800, v5;
	v16 =	vor.u32 $0x1C00, v5;
	v17 =	vor.u32 $0x800, v11;
	s6 =	simm.s32 $0x15000;
	s24 =	sadd.s32 $0xAC00, s9;
	[dreg:$0x8] =	wrdreg s1  }
0x12: {  	v19 =	vor.u32 $0x1800, v11;
	v20 =	vor.u32 $0x2000, v11;
	[tilespmem:$0x1FFE0] =	vst v17;
	v17 =	vor.u32 $0x1000, v11;
	s8 =	simm.s32 $0x0;
	s9 =	sadd.s32 $0xC00, s9;
	[dreg:$0x5] =	wrdreg s24  }
0x13: {  	v21 =	vor.u32 $0x2800, v11;
	v22 =	vor.u32 $0x3000, v11;
	v18 =	vmovc v11;
	v23 =	vor.u32 $0x3800, v11;
	[tilespmem:$0x1FFF0] =	vst v17;
	s1 =	simm.s32 $0xD000;
	[dreg:$0x6] =	wrdreg s9;
	s24 =	simm.s32 $0x7000  }
.LBB2_1:
0x14: {  	s9 =	rddreg [dreg:$0x5];
	s10 =	simm.s32 $0x6  }
0x15: {  	[tilespmem:s5], [sflag:$0x6] =	stream.linear.gather [hbm4b:s9+s5], $0x2800, $0x38;
	[tilespmem:$0x19000] =	vst v63  }
0x16: {  	_ =	swait.ge [sflag:s10], $0x2800  }
0x17: {  	[sflag:s10] =	ssyncset.done $0x0  }
0x18: {  	s13 =	simm.s32 $0x2800;
	s25 =	rddreg [dreg:$0x6];
	[sflag:s10] =	ssyncadd.s32 $0xFFFFD800  }
0x19: {  	[tilespmem:s13], [sflag:$0x6] =	stream.linear.gather [hbm4b:s25+s5], $0x2800, $0x38;
	[tilespmem:$0x19000] =	vst v63  }
.Ltmp0:
0x1a: {  	_ = 	snop;
	(pc) =	sbr.rel .LBB2_2-.Ltmp0, $4  }
0x1b: {  	_ =	swait.ge [sflag:s10], $0x2800  }
0x1c: {  	s30 =	simm.s32 $0x7A1400;
	[sflag:s10] =	ssyncset.done $0x0  }
0x1d: {  	s9 =	simm.s32 $0x0;
	s28 =	rddreg [dreg:$0x7];
	[sflag:s10] =	ssyncadd.s32 $0xFFFFD800  }
0x1e: {  	[tilespmem:s21], [sflag:$0x1] =	stream.strided.gather [hbm4b:s28+s19], $0x2000, s30, s19, $0x38;
	[tilespmem:$0x19000] =	vst v63  }
.LBB2_9:
0x1f: {  	s9 =	sadd.s32 $0x1, s9  }
0x20: {  	p1 =	sne.s32 s9, $0x7B  }
.Ltmp1:
0x21: {  	_ = 	snop;
	(pc) =	sbr.rel @!p1 .LBB2_10-.Ltmp1, $1  }
0x22: {  	_ =	sdelay $0x3  }
.LBB2_2:
0x23: {  	s10 =	sshll.u32 s9, $0x6  }
0x24: {  	s13 =	sor.u32 s3, s10  }
0x25: {  	p1 =	sgt.u32 s13, $0x1E83  }
.Ltmp2:
0x26: {  	_ = 	snop;
	(pc) =	sbr.rel @p1 .LBB2_9-.Ltmp2, $1  }
0x27: {  	_ =	sdelay $0x3  }
0x28: {  	s10 =	sor.u32 $0x20, s13  }
0x29: {  	p2 =	sgt.u32 s10, $0x1E83  }
0x2a: {  	_ =	swait.ge [sflag:s22], $0x2000;
	s16 =	sshll.u32 @!p2 s10, $0x7  }
0x2b: {  	[sflag:s22] =	ssyncset.done $0x0;
	s25 =	sadd.s32 @!p2 s2, s16;
	s16 =	simm.s32 $0x0  }
0x2c: {  	p1 =	seq.s32 s9, $0x0;
	[sflag:s22] =	ssyncadd.s32 $0xFFFFE000;
	v24 =	vmov s16  }
0x2d: {  	s30 =	simm.s32 @!p2 $0x400;
	s28 =	simm.s32 @!p2 $0x7A1400;
	s17 =	simm.s32 @!p2 $0x7000;
	v24 =	vshll.u32 v24, $0x7  }
0x2e: {  	[tilespmem:s17], [sflag:$0x1] =	stream.strided.gather @!p2 [hbm4b:s25+s30], $0x2000, s28, s30, $0x38;
	v25 =	vor.u32 v1, v24;
	[tilespmem:$0x19000] =	vst v63  }
0x2f: {  	s17 =	simm.s32 @!p1 $0x2;
	v26 =	vor.u32 v4, v24  }
0x30: {  	_ =	swait.ge @!p1 [sflag:s17], $0x2000;
	v27 =	vor.u32 v7, v24  }
0x31: {  	[sflag:s17] =	ssyncset.done @!p1 $0x0;
	v29 =	vor.u32 v3, v24  }
0x32: {  	v28 =	vor.u32 v8, v24;
	[sflag:s17] =	ssyncadd.s32 @!p1 $0xFFFFE000  }
0x33: {  	s30 =	simm.s32 $0x1;
	v30 =	vor.u32 v0, v24;
	v38 =	vld.idx.msk [tilespmem:v25+s21+$0x0], $0xffff  }
0x34: {  	v31 =	vor.u32 v6, v24;
	v25 =	vmov s30;
	v43 =	vld.idx.msk [tilespmem:v26+s21+$0x0], $0xffff  }
0x35: {  	v26 =	vor.u32 v2, v24;
	v24 =	vld.idx.msk [tilespmem:v27+s21+$0x0], $0xffff;
	v32 =	vshll.u32 v25, $0x7  }
0x36: {  	v45 =	vld.idx.msk [tilespmem:v29+s21+$0x0], $0xffff;
	v33 =	vor.u32 v8, v32  }
0x37: {  	v60 =	vadd.s32 s16, v0;
	v25 =	vld.idx.msk [tilespmem:v28+s21+$0x0], $0xffff;
	v28 =	vor.u32 v1, v32  }
0x38: {  	v41 =	vadd.s32 s16, v1;
	v62 =	vadd.s32 s16, v2;
	v40 =	vld.idx.msk [tilespmem:v30+s21+$0x0], $0xffff;
	v34 =	vor.u32 v6, v32  }
0x39: {  	v27 =	vadd.s32 s30, v1;
	v30 =	vadd.s32 s30, v0;
	v29 =	vld.idx.msk [tilespmem:v31+s21+$0x0], $0xffff;
	v35 =	vor.u32 v0, v32  }
0x3a: {  	v46 =	vand.u32 $0x3F, v27;
	v27 =	vand.u32 $0x3F, v30;
	v30 =	vor.u32 v7, v32;
	v42 =	vld.idx.msk [tilespmem:v26+s21+$0x0], $0xffff  }
0x3b: {  	v48 =	vadd.s32 s16, v3;
	v31 =	vadd.s32 s30, v2;
	v36 =	vor.u32 v2, v32;
	v26 =	vld.idx.msk [tilespmem:v33+s21+$0x0], $0xffff  }
0x3c: {  	v44 =	vand.u32 $0x3F, v60;
	v47 =	vand.u32 $0x3F, v31;
	v37 =	vor.u32 v3, v32;
	v31 =	vld.idx.msk [tilespmem:v28+s21+$0x0], $0xffff  }
0x3d: {  	v61 =	vand.u32 $0x3F, v41;
	v63 =	vor.u32 v5, v44;
	v32 =	vor.u32 v4, v32;
	v28 =	vld.idx.msk [tilespmem:v34+s21+$0x0], $0xffff  }
0x3e: {  	v57 =	vadd.s32 s16, v6;
	v49 =	vor.u32 v9, v61;
	v35 =	vld.idx.msk [tilespmem:v35+s21+$0x0], $0xffff;
	v34 =	vand.u32 $0x3F, v62  }
0x3f: {  	v58 =	vadd.s32 s16, v7;
	v48 =	vand.u32 $0x3F, v48;
	v30 =	vld.idx.msk [tilespmem:v30+s21+$0x0], $0xffff;
	v50 =	vor.u32 v10, v34  }
0x40: {  	v39 =	vadd.s32 s30, v3;
	v55 =	vadd.s32 s30, v6;
	v48 =	vor.u32 v12, v48;
	v36 =	vld.idx.msk [tilespmem:v36+s21+$0x0], $0xffff  }
0x41: {  	v59 =	vand.u32 $0x3F, v57;
	v60 =	vand.u32 $0x3F, v58;
	v52 =	vor.u32 v13, v44;
	v37 =	vld.idx.msk [tilespmem:v37+s21+$0x0], $0xffff  }
0x42: {  	v51 =	vand.u32 $0x3F, v39;
	v61 =	vadd.s32 s16, v8;
	v39 =	vld.idx.msk [tilespmem:v32+s21+$0x0], $0xffff;
	[tilespmem:v63+s23+$0x0] =	vst.idx.msk $0xffff, v40;
	v40 =	vor.u32 v14, v59  }
0x43: {  	v56 =	vadd.s32 s30, v7;
	v41 =	vor.u32 v15, v60;
	v62 =	vand.u32 $0x3F, v61;
	[tilespmem:v49+s23+$0x0] =	vst.idx.msk $0xffff, v38  }
0x44: {  	v33 =	vand.u32 $0x3F, v55;
	v32 =	vor.u32 v12, v51;
	v44 =	vor.u32 v16, v62;
	[tilespmem:v50+s23+$0x0] =	vst.idx.msk $0xffff, v42  }
0x45: {  	v63 =	vadd.s32 s30, v8;
	v34 =	vand.u32 $0x3F, v56;
	v42 =	vor.u32 v5, v27;
	[tilespmem:v48+s23+$0x0] =	vst.idx.msk $0xffff, v45  }
0x46: {  	s16 =	simm.s32 $0x2;
	v38 =	vand.u32 $0x3F, v63;
	v45 =	vor.u32 v9, v46;
	[tilespmem:v52+s23+$0x0] =	vst.idx.msk $0xffff, v43;
	v43 =	vor.u32 v10, v47  }
.LBB2_4:
0x47: {  	p3 =	sne.s32 s16, $0x3E;
	[tilespmem:v40+s23+$0x0] =	vst.idx.msk $0xffff, v29;
	s25 =	smov.u32 s16;
	s16 =	sadd.s32 $0x2, s16  }
0x48: {  	[tilespmem:v41+s23+$0x0] =	vst.idx.msk $0xffff, v24;
	v24 =	vor.u32 v13, v27  }
0x49: {  	[tilespmem:v44+s23+$0x0] =	vst.idx.msk $0xffff, v25;
	v25 =	vor.u32 v14, v33  }
0x4a: {  	v27 =	vor.u32 v15, v34;
	[tilespmem:v42+s23+$0x0] =	vst.idx.msk $0xffff, v35  }
0x4b: {  	v29 =	vmov s25;
	[tilespmem:v45+s23+$0x0] =	vst.idx.msk $0xffff, v31;
	v31 =	vor.u32 v16, v38  }
0x4c: {  	v29 =	vshll.u32 v29, $0x7;
	[tilespmem:v43+s23+$0x0] =	vst.idx.msk $0xffff, v36  }
0x4d: {  	v33 =	vor.u32 v0, v29;
	v34 =	vor.u32 v1, v29;
	[tilespmem:v32+s23+$0x0] =	vst.idx.msk $0xffff, v37  }
0x4e: {  	v35 =	vor.u32 v4, v29;
	v32 =	vor.u32 v3, v29;
	[tilespmem:v24+s23+$0x0] =	vst.idx.msk $0xffff, v39  }
0x4f: {  	v36 =	vor.u32 v8, v29;
	v24 =	vor.u32 v7, v29;
	[tilespmem:v25+s23+$0x0] =	vst.idx.msk $0xffff, v28  }
0x50: {  	v28 =	vor.u32 v2, v29;
	v29 =	vor.u32 v6, v29;
	[tilespmem:v27+s23+$0x0] =	vst.idx.msk $0xffff, v30  }
0x51: {  	s17 =	sadd.s32 $0x1, s25;
	[tilespmem:v31+s23+$0x0] =	vst.idx.msk $0xffff, v26  }
0x52: {  	v25 =	vmov s17;
	v27 =	vadd.s32 s17, v0;
	v26 =	vadd.s32 s17, v1;
	v42 =	vld.idx.msk [tilespmem:v34+s21+$0x0], $0xffff  }
0x53: {  	v27 =	vand.u32 $0x3F, v27;
	v43 =	vand.u32 $0x3F, v26;
	v26 =	vshll.u32 v25, $0x7;
	v46 =	vld.idx.msk [tilespmem:v35+s21+$0x0], $0xffff  }
0x54: {  	v30 =	vor.u32 v0, v26;
	v31 =	vor.u32 v1, v26;
	v35 =	vor.u32 v8, v26;
	v24 =	vld.idx.msk [tilespmem:v24+s21+$0x0], $0xffff  }
0x55: {  	v37 =	vor.u32 v3, v26;
	v39 =	vor.u32 v7, v26;
	v25 =	vld.idx.msk [tilespmem:v36+s21+$0x0], $0xffff;
	v36 =	vor.u32 v2, v26  }
0x56: {  	v34 =	vadd.s32 s17, v2;
	v40 =	vor.u32 v4, v26;
	v41 =	vor.u32 v6, v26;
	v45 =	vld.idx.msk [tilespmem:v32+s21+$0x0], $0xffff  }
0x57: {  	v47 =	vand.u32 $0x3F, v34;
	v26 =	vadd.s32 s17, v3;
	v32 =	vadd.s32 s17, v6;
	v44 =	vld.idx.msk [tilespmem:v33+s21+$0x0], $0xffff  }
0x58: {  	v26 =	vand.u32 $0x3F, v26;
	v33 =	vand.u32 $0x3F, v32;
	v32 =	vadd.s32 s17, v7;
	v29 =	vld.idx.msk [tilespmem:v29+s21+$0x0], $0xffff  }
0x59: {  	v38 =	vadd.s32 s17, v8;
	v34 =	vand.u32 $0x3F, v32;
	v32 =	vor.u32 v12, v26;
	v48 =	vld.idx.msk [tilespmem:v28+s21+$0x0], $0xffff  }
0x5a: {  	v38 =	vand.u32 $0x3F, v38;
	v28 =	vadd.s32 s25, v0;
	v26 =	vld.idx.msk [tilespmem:v35+s21+$0x0], $0xffff  }
0x5b: {  	v35 =	vadd.s32 s25, v1;
	v49 =	vand.u32 $0x3F, v28;
	v31 =	vld.idx.msk [tilespmem:v31+s21+$0x0], $0xffff  }
0x5c: {  	v50 =	vand.u32 $0x3F, v35;
	v35 =	vadd.s32 s25, v2;
	v28 =	vld.idx.msk [tilespmem:v41+s21+$0x0], $0xffff;
	v41 =	vor.u32 v5, v49  }
0x5d: {  	v52 =	vadd.s32 s25, v3;
	v51 =	vand.u32 $0x3F, v35;
	v50 =	vor.u32 v9, v50;
	v35 =	vld.idx.msk [tilespmem:v30+s21+$0x0], $0xffff  }
0x5e: {  	v52 =	vand.u32 $0x3F, v52;
	v51 =	vor.u32 v10, v51;
	v30 =	vld.idx.msk [tilespmem:v39+s21+$0x0], $0xffff  }
0x5f: {  	v52 =	vor.u32 v12, v52;
	v39 =	vadd.s32 s25, v6;
	v36 =	vld.idx.msk [tilespmem:v36+s21+$0x0], $0xffff  }
0x60: {  	v49 =	vor.u32 v13, v49;
	v53 =	vand.u32 $0x3F, v39;
	v39 =	vadd.s32 s25, v7;
	v37 =	vld.idx.msk [tilespmem:v37+s21+$0x0], $0xffff  }
0x61: {  	v55 =	vadd.s32 s25, v8;
	v54 =	vand.u32 $0x3F, v39;
	v39 =	vld.idx.msk [tilespmem:v40+s21+$0x0], $0xffff;
	v40 =	vor.u32 v14, v53  }
.Ltmp3:
0x62: {  	v53 =	vand.u32 $0x3F, v55;
	[tilespmem:v41+s23+$0x0] =	vst.idx.msk $0xffff, v44;
	v41 =	vor.u32 v15, v54;
	(pc) =	sbr.rel @p3 .LBB2_4-.Ltmp3, $4  }
0x63: {  	v44 =	vor.u32 v16, v53;
	[tilespmem:v50+s23+$0x0] =	vst.idx.msk $0xffff, v42  }
0x64: {  	v42 =	vor.u32 v5, v27;
	[tilespmem:v51+s23+$0x0] =	vst.idx.msk $0xffff, v48  }
0x65: {  	[tilespmem:v52+s23+$0x0] =	vst.idx.msk $0xffff, v45;
	v45 =	vor.u32 v9, v43  }
0x66: {  	v43 =	vor.u32 v10, v47;
	[tilespmem:v49+s23+$0x0] =	vst.idx.msk $0xffff, v46  }
0x67: {  	_ =	sdelay $0x3  }
0x68: {  	[tilespmem:v40+s23+$0x0] =	vst.idx.msk $0xffff, v29  }
0x69: {  	[tilespmem:v41+s23+$0x0] =	vst.idx.msk $0xffff, v24  }
0x6a: {  	v60 =	vor.u32 v13, v27;
	[tilespmem:v44+s23+$0x0] =	vst.idx.msk $0xffff, v25  }
0x6b: {  	v61 =	vor.u32 v14, v33;
	[tilespmem:v42+s23+$0x0] =	vst.idx.msk $0xffff, v35  }
0x6c: {  	v62 =	vor.u32 v15, v34;
	[tilespmem:v45+s23+$0x0] =	vst.idx.msk $0xffff, v31  }
0x6d: {  	v63 =	vor.u32 v16, v38;
	[tilespmem:v43+s23+$0x0] =	vst.idx.msk $0xffff, v36  }
0x6e: {  	[tilespmem:v32+s23+$0x0] =	vst.idx.msk $0xffff, v37  }
.Ltmp4:
0x6f: {  	[tilespmem:v60+s23+$0x0] =	vst.idx.msk $0xffff, v39;
	(pc) =	sbr.rel @p2 .LBB2_9-.Ltmp4, $4  }
0x70: {  	[tilespmem:v61+s23+$0x0] =	vst.idx.msk $0xffff, v28  }
0x71: {  	s16 =	sshll.u32 s13, $0xA;
	[tilespmem:v62+s23+$0x0] =	vst.idx.msk $0xffff, v30  }
0x72: {  	s16 =	sadd.s32 s7, s16;
	[tilespmem:v63+s23+$0x0] =	vst.idx.msk $0xffff, v26  }
0x73: {  	[hbm4b:s16+s5] =	stream.linear.scatter [tilespmem:s23], [sflag:$0x2], $0x2000, $0x38;
	[tilespmem:$0x19000] =	vst v63  }
0x74: {  	p2 =	sgt.u32 s13, $0x1E43  }
0x75: {  	_ =	swait.ge [sflag:s22], $0x2000;
	s16 =	sshll.u32 @!p2 s13, $0x7;
	s13 =	simm.s32 $0x0  }
0x76: {  	[sflag:s22] =	ssyncset.done $0x0;
	s17 =	simm.s32 @!p2 $0x400;
	s25 =	simm.s32 @!p2 $0x7A1400;
	v24 =	vmov s13  }
0x77: {  	s28 =	simm.s32 @!p2 $0x5000;
	[sflag:s22] =	ssyncadd.s32 $0xFFFFE000;
	s16 =	sadd.s32 @!p2 s16, s11;
	v24 =	vshll.u32 v24, $0x7  }
0x78: {  	[tilespmem:s28], [sflag:$0x1] =	stream.strided.gather @!p2 [hbm4b:s16+s17], $0x2000, s25, s17, $0x38;
	v25 =	vor.u32 v1, v24;
	[tilespmem:$0x19000] =	vst v63  }
0x79: {  	s16 =	simm.s32 @!p1 $0x2;
	v26 =	vor.u32 v4, v24  }
0x7a: {  	_ =	swait.ge @!p1 [sflag:s16], $0x2000;
	v27 =	vor.u32 v7, v24  }
0x7b: {  	v29 =	vor.u32 v3, v24;
	[sflag:s16] =	ssyncset.done @!p1 $0x0  }
0x7c: {  	v28 =	vor.u32 v8, v24;
	[sflag:s16] =	ssyncadd.s32 @!p1 $0xFFFFE000  }
0x7d: {  	s30 =	simm.s32 $0x1;
	v30 =	vor.u32 v0, v24;
	v38 =	vld.idx.msk [tilespmem:v25+s24+$0x0], $0xffff  }
0x7e: {  	v31 =	vor.u32 v6, v24;
	v25 =	vmov s30;
	v43 =	vld.idx.msk [tilespmem:v26+s24+$0x0], $0xffff  }
0x7f: {  	v26 =	vor.u32 v2, v24;
	v24 =	vld.idx.msk [tilespmem:v27+s24+$0x0], $0xffff;
	v32 =	vshll.u32 v25, $0x7  }
0x80: {  	v45 =	vld.idx.msk [tilespmem:v29+s24+$0x0], $0xffff;
	v33 =	vor.u32 v8, v32  }
0x81: {  	v39 =	vadd.s32 s30, v3;
	v25 =	vld.idx.msk [tilespmem:v28+s24+$0x0], $0xffff;
	v28 =	vor.u32 v1, v32  }
0x82: {  	v60 =	vadd.s32 s13, v0;
	v41 =	vadd.s32 s13, v1;
	v40 =	vld.idx.msk [tilespmem:v30+s24+$0x0], $0xffff;
	v34 =	vor.u32 v6, v32  }
0x83: {  	v27 =	vadd.s32 s30, v1;
	v30 =	vadd.s32 s30, v0;
	v29 =	vld.idx.msk [tilespmem:v31+s24+$0x0], $0xffff;
	v35 =	vor.u32 v0, v32  }
0x84: {  	v46 =	vand.u32 $0x3F, v27;
	v27 =	vand.u32 $0x3F, v30;
	v30 =	vor.u32 v7, v32;
	v42 =	vld.idx.msk [tilespmem:v26+s24+$0x0], $0xffff  }
0x85: {  	v62 =	vadd.s32 s13, v2;
	v31 =	vadd.s32 s30, v2;
	v36 =	vor.u32 v2, v32;
	v26 =	vld.idx.msk [tilespmem:v33+s24+$0x0], $0xffff  }
0x86: {  	v44 =	vand.u32 $0x3F, v60;
	v47 =	vand.u32 $0x3F, v31;
	v37 =	vor.u32 v3, v32;
	v31 =	vld.idx.msk [tilespmem:v28+s24+$0x0], $0xffff  }
0x87: {  	v61 =	vand.u32 $0x3F, v41;
	v63 =	vor.u32 v5, v44;
	v32 =	vor.u32 v4, v32;
	v28 =	vld.idx.msk [tilespmem:v34+s24+$0x0], $0xffff  }
0x88: {  	v48 =	vadd.s32 s13, v3;
	v49 =	vor.u32 v9, v61;
	v35 =	vld.idx.msk [tilespmem:v35+s24+$0x0], $0xffff;
	v34 =	vand.u32 $0x3F, v62  }
0x89: {  	v55 =	vadd.s32 s30, v6;
	v48 =	vand.u32 $0x3F, v48;
	v30 =	vld.idx.msk [tilespmem:v30+s24+$0x0], $0xffff;
	v50 =	vor.u32 v10, v34  }
0x8a: {  	v51 =	vand.u32 $0x3F, v39;
	v57 =	vadd.s32 s13, v6;
	v48 =	vor.u32 v12, v48;
	v36 =	vld.idx.msk [tilespmem:v36+s24+$0x0], $0xffff  }
0x8b: {  	v58 =	vadd.s32 s13, v7;
	v59 =	vand.u32 $0x3F, v57;
	v52 =	vor.u32 v13, v44;
	v37 =	vld.idx.msk [tilespmem:v37+s24+$0x0], $0xffff  }
0x8c: {  	v60 =	vand.u32 $0x3F, v58;
	v61 =	vadd.s32 s13, v8;
	v39 =	vld.idx.msk [tilespmem:v32+s24+$0x0], $0xffff;
	[tilespmem:v63+s26+$0x0] =	vst.idx.msk $0xffff, v40;
	v40 =	vor.u32 v14, v59  }
0x8d: {  	v56 =	vadd.s32 s30, v7;
	v41 =	vor.u32 v15, v60;
	v62 =	vand.u32 $0x3F, v61;
	[tilespmem:v49+s26+$0x0] =	vst.idx.msk $0xffff, v38  }
0x8e: {  	v33 =	vand.u32 $0x3F, v55;
	v32 =	vor.u32 v12, v51;
	v44 =	vor.u32 v16, v62;
	[tilespmem:v50+s26+$0x0] =	vst.idx.msk $0xffff, v42  }
0x8f: {  	v63 =	vadd.s32 s30, v8;
	v34 =	vand.u32 $0x3F, v56;
	v42 =	vor.u32 v5, v27;
	[tilespmem:v48+s26+$0x0] =	vst.idx.msk $0xffff, v45  }
0x90: {  	s13 =	simm.s32 $0x2;
	v38 =	vand.u32 $0x3F, v63;
	v45 =	vor.u32 v9, v46;
	[tilespmem:v52+s26+$0x0] =	vst.idx.msk $0xffff, v43;
	v43 =	vor.u32 v10, v47  }
.LBB2_7:
0x91: {  	p1 =	sne.s32 s13, $0x3E;
	[tilespmem:v40+s26+$0x0] =	vst.idx.msk $0xffff, v29;
	s16 =	smov.u32 s13;
	s13 =	sadd.s32 $0x2, s13  }
0x92: {  	[tilespmem:v41+s26+$0x0] =	vst.idx.msk $0xffff, v24;
	v24 =	vor.u32 v13, v27  }
0x93: {  	[tilespmem:v44+s26+$0x0] =	vst.idx.msk $0xffff, v25;
	v25 =	vor.u32 v14, v33  }
0x94: {  	v27 =	vor.u32 v15, v34;
	[tilespmem:v42+s26+$0x0] =	vst.idx.msk $0xffff, v35  }
0x95: {  	v29 =	vmov s16;
	[tilespmem:v45+s26+$0x0] =	vst.idx.msk $0xffff, v31;
	v31 =	vor.u32 v16, v38  }
0x96: {  	v29 =	vshll.u32 v29, $0x7;
	[tilespmem:v43+s26+$0x0] =	vst.idx.msk $0xffff, v36  }
0x97: {  	v33 =	vor.u32 v0, v29;
	v34 =	vor.u32 v1, v29;
	[tilespmem:v32+s26+$0x0] =	vst.idx.msk $0xffff, v37  }
0x98: {  	v35 =	vor.u32 v4, v29;
	v32 =	vor.u32 v3, v29;
	[tilespmem:v24+s26+$0x0] =	vst.idx.msk $0xffff, v39  }
0x99: {  	v36 =	vor.u32 v8, v29;
	v24 =	vor.u32 v7, v29;
	[tilespmem:v25+s26+$0x0] =	vst.idx.msk $0xffff, v28  }
0x9a: {  	v28 =	vor.u32 v2, v29;
	v29 =	vor.u32 v6, v29;
	[tilespmem:v27+s26+$0x0] =	vst.idx.msk $0xffff, v30  }
0x9b: {  	s17 =	sadd.s32 $0x1, s16;
	[tilespmem:v31+s26+$0x0] =	vst.idx.msk $0xffff, v26  }
0x9c: {  	v25 =	vmov s17;
	v27 =	vadd.s32 s17, v0;
	v26 =	vadd.s32 s17, v1;
	v42 =	vld.idx.msk [tilespmem:v34+s24+$0x0], $0xffff  }
0x9d: {  	v27 =	vand.u32 $0x3F, v27;
	v43 =	vand.u32 $0x3F, v26;
	v26 =	vshll.u32 v25, $0x7;
	v46 =	vld.idx.msk [tilespmem:v35+s24+$0x0], $0xffff  }
0x9e: {  	v30 =	vor.u32 v0, v26;
	v31 =	vor.u32 v1, v26;
	v35 =	vor.u32 v8, v26;
	v24 =	vld.idx.msk [tilespmem:v24+s24+$0x0], $0xffff  }
0x9f: {  	v37 =	vor.u32 v3, v26;
	v39 =	vor.u32 v7, v26;
	v25 =	vld.idx.msk [tilespmem:v36+s24+$0x0], $0xffff;
	v36 =	vor.u32 v2, v26  }
0xa0: {  	v34 =	vadd.s32 s17, v2;
	v40 =	vor.u32 v4, v26;
	v41 =	vor.u32 v6, v26;
	v45 =	vld.idx.msk [tilespmem:v32+s24+$0x0], $0xffff  }
0xa1: {  	v47 =	vand.u32 $0x3F, v34;
	v26 =	vadd.s32 s17, v3;
	v32 =	vadd.s32 s17, v6;
	v44 =	vld.idx.msk [tilespmem:v33+s24+$0x0], $0xffff  }
0xa2: {  	v26 =	vand.u32 $0x3F, v26;
	v33 =	vand.u32 $0x3F, v32;
	v32 =	vadd.s32 s17, v7;
	v29 =	vld.idx.msk [tilespmem:v29+s24+$0x0], $0xffff  }
0xa3: {  	v38 =	vadd.s32 s17, v8;
	v34 =	vand.u32 $0x3F, v32;
	v32 =	vor.u32 v12, v26;
	v48 =	vld.idx.msk [tilespmem:v28+s24+$0x0], $0xffff  }
0xa4: {  	v38 =	vand.u32 $0x3F, v38;
	v28 =	vadd.s32 s16, v0;
	v26 =	vld.idx.msk [tilespmem:v35+s24+$0x0], $0xffff  }
0xa5: {  	v35 =	vadd.s32 s16, v1;
	v49 =	vand.u32 $0x3F, v28;
	v31 =	vld.idx.msk [tilespmem:v31+s24+$0x0], $0xffff  }
0xa6: {  	v50 =	vand.u32 $0x3F, v35;
	v35 =	vadd.s32 s16, v2;
	v28 =	vld.idx.msk [tilespmem:v41+s24+$0x0], $0xffff;
	v41 =	vor.u32 v5, v49  }
0xa7: {  	v52 =	vadd.s32 s16, v3;
	v51 =	vand.u32 $0x3F, v35;
	v50 =	vor.u32 v9, v50;
	v35 =	vld.idx.msk [tilespmem:v30+s24+$0x0], $0xffff  }
0xa8: {  	v52 =	vand.u32 $0x3F, v52;
	v51 =	vor.u32 v10, v51;
	v30 =	vld.idx.msk [tilespmem:v39+s24+$0x0], $0xffff  }
0xa9: {  	v52 =	vor.u32 v12, v52;
	v39 =	vadd.s32 s16, v6;
	v36 =	vld.idx.msk [tilespmem:v36+s24+$0x0], $0xffff  }
0xaa: {  	v49 =	vor.u32 v13, v49;
	v53 =	vand.u32 $0x3F, v39;
	v39 =	vadd.s32 s16, v7;
	v37 =	vld.idx.msk [tilespmem:v37+s24+$0x0], $0xffff  }
0xab: {  	v55 =	vadd.s32 s16, v8;
	v54 =	vand.u32 $0x3F, v39;
	v39 =	vld.idx.msk [tilespmem:v40+s24+$0x0], $0xffff;
	v40 =	vor.u32 v14, v53  }
.Ltmp5:
0xac: {  	v53 =	vand.u32 $0x3F, v55;
	[tilespmem:v41+s26+$0x0] =	vst.idx.msk $0xffff, v44;
	v41 =	vor.u32 v15, v54;
	(pc) =	sbr.rel @p1 .LBB2_7-.Ltmp5, $4  }
0xad: {  	v44 =	vor.u32 v16, v53;
	[tilespmem:v50+s26+$0x0] =	vst.idx.msk $0xffff, v42  }
0xae: {  	v42 =	vor.u32 v5, v27;
	[tilespmem:v51+s26+$0x0] =	vst.idx.msk $0xffff, v48  }
0xaf: {  	[tilespmem:v52+s26+$0x0] =	vst.idx.msk $0xffff, v45;
	v45 =	vor.u32 v9, v43  }
0xb0: {  	v43 =	vor.u32 v10, v47;
	[tilespmem:v49+s26+$0x0] =	vst.idx.msk $0xffff, v46  }
0xb1: {  	_ =	sdelay $0x3  }
0xb2: {  	[tilespmem:v40+s26+$0x0] =	vst.idx.msk $0xffff, v29  }
0xb3: {  	[tilespmem:v41+s26+$0x0] =	vst.idx.msk $0xffff, v24  }
0xb4: {  	v60 =	vor.u32 v13, v27;
	[tilespmem:v44+s26+$0x0] =	vst.idx.msk $0xffff, v25  }
0xb5: {  	v61 =	vor.u32 v14, v33;
	[tilespmem:v42+s26+$0x0] =	vst.idx.msk $0xffff, v35  }
0xb6: {  	v62 =	vor.u32 v15, v34;
	[tilespmem:v45+s26+$0x0] =	vst.idx.msk $0xffff, v31  }
0xb7: {  	v63 =	vor.u32 v16, v38;
	[tilespmem:v43+s26+$0x0] =	vst.idx.msk $0xffff, v36  }
0xb8: {  	[tilespmem:v32+s26+$0x0] =	vst.idx.msk $0xffff, v37  }
.Ltmp6:
0xb9: {  	[tilespmem:v60+s26+$0x0] =	vst.idx.msk $0xffff, v39;
	(pc) =	sbr.rel .LBB2_9-.Ltmp6, $4  }
0xba: {  	[tilespmem:v61+s26+$0x0] =	vst.idx.msk $0xffff, v28  }
0xbb: {  	s10 =	sshll.u32 s10, $0xA;
	[tilespmem:v62+s26+$0x0] =	vst.idx.msk $0xffff, v30  }
0xbc: {  	s10 =	sadd.s32 s7, s10;
	[tilespmem:v63+s26+$0x0] =	vst.idx.msk $0xffff, v26  }
0xbd: {  	[hbm4b:s10+s5] =	stream.linear.scatter [tilespmem:s26], [sflag:$0x2], $0x2000, $0x38;
	[tilespmem:$0x19000] =	vst v63  }
.LBB2_10:
0xbe: {  	s9 =	simm.s32 $0x2  }
0xbf: {  	_ =	swait.ge [sflag:s9], $0x2000  }
.Ltmp7:
0xc0: {  	[sflag:s9] =	ssyncset.done $0x0;
	(pc) =	sbr.rel @p0 .LBB2_14-.Ltmp7, $4  }
0xc1: {  	[sflag:s9] =	ssyncadd.s32 $0xFFFFE000  }
0xc2: {  	_ =	swait.ge [sflag:s9], $0x2000  }
0xc3: {  	[sflag:s9] =	ssyncset.done $0x0  }
0xc4: {  	[sflag:s9] =	ssyncadd.s32 $0xFFFFE000  }
0xc5: {  	s9 =	simm.s32 $0x0  }
0xc6: {  	s10 =	rddreg [dreg:$0x4];
	s30 =	simm.s32 $0x6;
	v24 =	vor.u32 s9, v5  }
0xc7: {  	[tilespmem:s21], [sflag:$0x6] =	stream.linear.gather [hbm4b:s10+s9], $0x1000, $0x38;
	[tilespmem:$0x19000] =	vst v63  }
0xc8: {  	_ =	swait.ge [sflag:s30], $0x1000  }
0xc9: {  	v25 =	vadd.s32 s9, v0;
	[sflag:s30] =	ssyncset.done $0x0  }
0xca: {  	v25 =	vand.u32 $0x3F, v25;
	[sflag:s30] =	ssyncadd.s32 $0xFFFFF000  }
0xcb: {  	v25 =	vor.u32 v5, v25;
	v24 =	vld.idx.msk [tilespmem:v24+s21+$0x0], $0xffff  }
0xcc: {  	v26 =	vor.u32 s9, v9;
	_ =	sdelay $0x2  }
0xcd: {  	v27 =	vadd.s32 s9, v1  }
0xce: {  	[tilespmem:v25+s23+$0x0] =	vst.idx.msk $0xffff, v24;
	v24 =	vand.u32 $0x3F, v27  }
0xcf: {  	v25 =	vld.idx.msk [tilespmem:v26+s21+$0x0], $0xffff;
	v24 =	vor.u32 v9, v24  }
0xd0: {  	v26 =	vor.u32 s9, v10;
	_ =	sdelay $0x2  }
0xd1: {  	v27 =	vadd.s32 s9, v2  }
0xd2: {  	[tilespmem:v24+s23+$0x0] =	vst.idx.msk $0xffff, v25;
	v24 =	vand.u32 $0x3F, v27  }
0xd3: {  	v25 =	vld.idx.msk [tilespmem:v26+s21+$0x0], $0xffff;
	v24 =	vor.u32 v10, v24  }
0xd4: {  	v26 =	vor.u32 s9, v12;
	_ =	sdelay $0x2  }
0xd5: {  	v27 =	vadd.s32 s9, v3  }
0xd6: {  	[tilespmem:v24+s23+$0x0] =	vst.idx.msk $0xffff, v25;
	v25 =	vand.u32 $0x3F, v27  }
0xd7: {  	s9 =	simm.s32 $0x1;
	v24 =	vld.idx.msk [tilespmem:v26+s21+$0x0], $0xffff;
	v26 =	vor.u32 v12, v25  }
0xd8: {  	s10 =	simm.s32 $0x2;
	v25 =	vor.u32 s9, v5  }
.LBB2_12:
0xd9: {  	p1 =	sne.s32 s10, $0x3F;
	_ =	sdelay $0x2  }
0xda: {  	v27 =	vadd.s32 s9, v0;
	[tilespmem:v26+s23+$0x0] =	vst.idx.msk $0xffff, v24  }
0xdb: {  	v24 =	vld.idx.msk [tilespmem:v25+s21+$0x0], $0xffff;
	v25 =	vand.u32 $0x3F, v27  }
0xdc: {  	v25 =	vor.u32 v5, v25  }
0xdd: {  	v26 =	vor.u32 s9, v9;
	_ =	sdelay $0x3  }
0xde: {  	[tilespmem:v25+s23+$0x0] =	vst.idx.msk $0xffff, v24;
	v24 =	vadd.s32 s9, v1  }
0xdf: {  	v25 =	vld.idx.msk [tilespmem:v26+s21+$0x0], $0xffff;
	v24 =	vand.u32 $0x3F, v24  }
0xe0: {  	v24 =	vor.u32 v9, v24  }
0xe1: {  	v26 =	vor.u32 s9, v10;
	_ =	sdelay $0x3  }
0xe2: {  	[tilespmem:v24+s23+$0x0] =	vst.idx.msk $0xffff, v25;
	v24 =	vadd.s32 s9, v2  }
0xe3: {  	v25 =	vld.idx.msk [tilespmem:v26+s21+$0x0], $0xffff;
	v24 =	vand.u32 $0x3F, v24  }
0xe4: {  	v24 =	vor.u32 v10, v24  }
0xe5: {  	v26 =	vor.u32 s9, v12;
	_ =	sdelay $0x2  }
.Ltmp8:
0xe6: {  	(pc) =	sbr.rel @p1 .LBB2_12-.Ltmp8, $4  }
0xe7: {  	[tilespmem:v24+s23+$0x0] =	vst.idx.msk $0xffff, v25;
	v25 =	vadd.s32 s9, v3;
	s9 =	smov.u32 s10  }
0xe8: {  	v24 =	vld.idx.msk [tilespmem:v26+s21+$0x0], $0xffff;
	v25 =	vand.u32 $0x3F, v25  }
0xe9: {  	v26 =	vor.u32 v12, v25  }
0xea: {  	s10 =	sadd.s32 $0x1, s10;
	v25 =	vor.u32 s9, v5  }
0xeb: {  	_ =	sdelay $0x2  }
0xec: {  	v27 =	vadd.s32 s9, v0  }
0xed: {  	v54 =	vand.u32 $0x3F, v27;
	[tilespmem:v26+s23+$0x0] =	vst.idx.msk $0xffff, v24  }
0xee: {  	v24 =	vor.u32 v5, v54;
	v25 =	vld.idx.msk [tilespmem:v25+s21+$0x0], $0xffff  }
0xef: {  	v55 =	vor.u32 s9, v9;
	_ =	sdelay $0x2  }
0xf0: {  	v56 =	vadd.s32 s9, v1  }
0xf1: {  	v57 =	vand.u32 $0x3F, v56;
	[tilespmem:v24+s23+$0x0] =	vst.idx.msk $0xffff, v25  }
0xf2: {  	v24 =	vor.u32 v9, v57;
	v25 =	vld.idx.msk [tilespmem:v55+s21+$0x0], $0xffff  }
0xf3: {  	v58 =	vor.u32 s9, v10;
	_ =	sdelay $0x2  }
0xf4: {  	v59 =	vadd.s32 s9, v2  }
0xf5: {  	v60 =	vand.u32 $0x3F, v59;
	[tilespmem:v24+s23+$0x0] =	vst.idx.msk $0xffff, v25  }
0xf6: {  	v24 =	vor.u32 v10, v60;
	v25 =	vld.idx.msk [tilespmem:v58+s21+$0x0], $0xffff  }
0xf7: {  	v61 =	vor.u32 s9, v12;
	_ =	sdelay $0x2  }
0xf8: {  	v62 =	vadd.s32 s9, v3  }
0xf9: {  	v63 =	vand.u32 $0x3F, v62;
	[tilespmem:v24+s23+$0x0] =	vst.idx.msk $0xffff, v25  }
0xfa: {  	v24 =	vor.u32 v12, v63;
	v25 =	vld.idx.msk [tilespmem:v61+s21+$0x0], $0xffff;
	_ =	sdelay $0x4  }
0xfb: {  	s28 =	rddreg [dreg:$0x8];
	s30 =	simm.s32 $0x6;
	[tilespmem:v24+s23+$0x0] =	vst.idx.msk $0xffff, v25  }
0xfc: {  	[hbm4b:s28+s5] =	stream.linear.scatter [tilespmem:s23], [sflag:$0x6], $0x1000, $0x38;
	[tilespmem:$0x19000] =	vst v63  }
0xfd: {  	_ =	swait.ge [sflag:s30], $0x1000  }
0xfe: {  	[sflag:s30] =	ssyncset.done $0x0  }
0xff: {  	[sflag:s30] =	ssyncadd.s32 $0xFFFFF000  }
.LBB2_14:
0x100: {  	[bflag:$0x0] =	sbarrier.arrive $0xFFFF  }
0x101: {  	s9 =	simm.s32 $0x100000;
	_ =	strace $0x80000048  }
0x102: {  	[smem:s9], [sflag:$0x0] =	smem.add.s32 $0x0;
	s9 =	simm.s32 $0x0  }
0x103: {  	_ =	swait.done [sflag:s9]  }
0x104: {  	s10 =	ssyncread [sflag:$0x0];
	_ =	sdelay $0x1  }
0x105: {  	s28 =	stileid.u32;
	s13 =	rddreg [dreg:$0x9]  }
0x106: {  	s16 =	rddreg [dreg:$0xb];
	s10 =	sadd.s32 s13, s10;
	s13 =	sshll.u32 s28, $0x6  }
0x107: {  	s13 =	sor.u32 s16, s13;
	s10 =	sshll.u32 s10, $0x11  }
0x108: {  	[sflag:s9] =	ssyncset.s32 $0x0;
	s10 =	sor.u32 s10, s13  }
0x109: {  	[sflag:s9] =	ssyncset.done $0x0;
	s10 =	sor.u32 $0x1C05, s10  }
0x10a: {  	s30 =	simm.s32 $0x5;
	[sflag:s10] =	ssyncadd.remote.s32 $0x1  }
0x10b: {  	_ =	swait.ge [sflag:s30], $0x1  }
0x10c: {  	[sflag:s30] =	ssyncset.done $0x0  }
0x10d: {  	[sflag:s30] =	ssyncadd.s32 $0xFFFFFFFF  }
0x10e: {  	s10 =	simm.s32 $0x0;
	_ =	strace $0x90000048  }
0x10f: {  	[tilespmem:s1], [sflag:$0x3] =	stream.indirect.gather [hbm4b:s7+s31], $0x80, s9, s31, $0xb8;
	[tilespmem:$0x19000] =	vst v63  }
.LBB2_15:
0x110: {  	_ =	swait.ge [sflag:s18], $0x4000;
	s13 =	sshllo.u32 s10, $0x1  }
0x111: {  	[sflag:s18] =	ssyncset.done $0x0;
	s13 =	sshll.u32 s13, $0x7  }
0x112: {  	p1 =	seq.s32 s10, $0x0;
	[sflag:s18] =	ssyncadd.s32 $0xFFFFC000;
	s16 =	sand.u32 $0x3FFFFF80, s13  }
0x113: {  	[tilespmem:s20], [sflag:$0x3] =	stream.indirect.gather [hbm4b:s7+s31], $0x80, s16, s31, $0xb8;
	[tilespmem:$0x19000] =	vst v63  }
0x114: {  	s16 =	simm.s32 @!p1 $0x4  }
0x115: {  	_ =	swait.ge @!p1 [sflag:s16], $0x2000  }
0x116: {  	[sflag:s16] =	ssyncset.done @!p1 $0x0  }
0x117: {  	s28 =	sshll.u32 s10, $0x8;
	[sflag:s16] =	ssyncadd.s32 @!p1 $0xFFFFE000  }
0x118: {  	v24 =	vld [tilespmem:s28+$0x2800]  }
0x119: {  	v25 =	vld [tilespmem:s28+$0x0]  }
0x11a: {  	v26 =	vld [tilespmem:s28+$0x2810]  }
0x11b: {  	v27 =	vld [tilespmem:s28+$0x10]  }
0x11c: {  	v28 =	vld [tilespmem:s28+$0x2820]  }
0x11d: {  	v29 =	vld [tilespmem:s28+$0x20]  }
0x11e: {  	v30 =	vld [tilespmem:s28+$0x2830]  }
0x11f: {  	v31 =	vld [tilespmem:s28+$0x30]  }
0x120: {  	v32 =	vld [tilespmem:s28+$0x2840]  }
0x121: {  	v34 =	vld [tilespmem:s28+$0x2850]  }
0x122: {  	v36 =	vld [tilespmem:s28+$0x2860]  }
0x123: {  	v40 =	vld [tilespmem:s28+$0x2870]  }
0x124: {  	v42 =	vld [tilespmem:s28+$0x70]  }
0x125: {  	v35 =	vld [tilespmem:s28+$0x50];
	v37 =	vshll.u32 v24, $0x6  }
0x126: {  	v38 =	vld [tilespmem:s28+$0x60];
	v25 =	vshll.u32 v25, $0x1;
	v39 =	vshll.u32 v26, $0x6;
	v41 =	vshll.u32 v28, $0x6  }
0x127: {  	v43 =	vshll.u32 v30, $0x6;
	v44 =	vshll.u32 v32, $0x6;
	v45 =	vshll.u32 v34, $0x6  }
0x128: {  	v33 =	vld [tilespmem:s28+$0x40];
	v46 =	vshll.u32 v36, $0x6;
	v47 =	vshll.u32 v40, $0x6;
	v24 =	vadd.s32 v24, v25  }
0x129: {  	v11 =	vld [tilespmem:$0x1FFE0];
	v25 =	vshll.u32 v27, $0x1;
	v27 =	vshll.u32 v31, $0x1;
	v31 =	vshll.u32 v42, $0x1  }
0x12a: {  	v25 =	vadd.s32 v26, v25;
	v26 =	vshll.u32 v29, $0x1;
	v27 =	vadd.s32 v30, v27  }
0x12b: {  	v29 =	vshll.u32 v35, $0x1;
	v30 =	vshll.u32 v38, $0x1;
	v31 =	vadd.s32 v40, v31  }
0x12c: {  	s30 =	simm.s32 $0x1;
	v35 =	vadd.s32 v19, v43;
	v38 =	vadd.s32 v22, v46;
	v53 =	vadd.s32 s9, v24  }
0x12d: {  	v59 =	vadd.s32 s30, v24;
	v26 =	vadd.s32 v28, v26;
	v28 =	vshll.u32 v33, $0x1  }
0x12e: {  	v29 =	vadd.s32 v34, v29;
	v30 =	vadd.s32 v36, v30;
	v33 =	vadd.s32 v11, v39  }
0x12f: {  	v36 =	vadd.s32 v20, v44;
	v40 =	vadd.s32 s9, v31;
	v39 =	vadd.s32 v23, v47  }
0x130: {  	v42 =	vand.u32 $0x3F, v53;
	v54 =	vadd.s32 s9, v25;
	v56 =	vadd.s32 s9, v27  }
0x131: {  	v11 =	vld [tilespmem:$0x1FFF0];
	v48 =	vadd.s32 s30, v25;
	v62 =	vadd.s32 s30, v27;
	v28 =	vadd.s32 v32, v28  }
0x132: {  	v32 =	vadd.s32 v18, v37;
	v37 =	vadd.s32 v21, v45;
	v52 =	vadd.s32 s9, v30  }
0x133: {  	v40 =	vand.u32 $0x3F, v40;
	v43 =	vand.u32 $0x3F, v54;
	v42 =	vor.u32 v32, v42  }
0x134: {  	v57 =	vadd.s32 s9, v29;
	v45 =	vand.u32 $0x3F, v56;
	v43 =	vor.u32 v33, v43  }
0x135: {  	v55 =	vadd.s32 s9, v26;
	v46 =	vand.u32 $0x3F, v57;
	v45 =	vor.u32 v35, v45  }
0x136: {  	v46 =	vor.u32 v37, v46;
	v34 =	vadd.s32 v11, v41;
	v41 =	vand.u32 $0x3F, v52  }
0x137: {  	v60 =	vadd.s32 s30, v29;
	v44 =	vand.u32 $0x3F, v55;
	v41 =	vor.u32 v38, v41  }
0x138: {  	v61 =	vand.u32 $0x3F, v48;
	v58 =	vadd.s32 s9, v28;
	v44 =	vor.u32 v34, v44;
	v49 =	vld.idx.msk [tilespmem:v42+s1+$0x0], $0xffff  }
0x139: {  	v63 =	vadd.s32 s30, v30;
	v40 =	vor.u32 v39, v40;
	v47 =	vand.u32 $0x3F, v58;
	v52 =	vld.idx.msk [tilespmem:v43+s1+$0x0], $0xffff  }
0x13a: {  	v50 =	vadd.s32 s30, v28;
	v47 =	vor.u32 v36, v47;
	v42 =	vand.u32 $0x3F, v60;
	v54 =	vld.idx.msk [tilespmem:v45+s1+$0x0], $0xffff  }
0x13b: {  	v43 =	vor.u32 v33, v61;
	v60 =	vand.u32 $0x3F, v62;
	v62 =	vadd.s32 s30, v26;
	v57 =	vld.idx.msk [tilespmem:v46+s1+$0x0], $0xffff  }
0x13c: {  	v45 =	vor.u32 v35, v60;
	v46 =	vand.u32 $0x3F, v62;
	v51 =	vld.idx.msk [tilespmem:v41+s1+$0x0], $0xffff;
	v41 =	vand.u32 $0x3F, v59  }
0x13d: {  	v53 =	vld.idx.msk [tilespmem:v44+s1+$0x0], $0xffff;
	v44 =	vand.u32 $0x3F, v63;
	v63 =	vand.u32 $0x3F, v50;
	v50 =	vor.u32 v34, v46  }
0x13e: {  	v40 =	vld.idx.msk [tilespmem:v40+s1+$0x0], $0xffff;
	v41 =	vor.u32 v32, v41  }
0x13f: {  	v61 =	vadd.s32 s30, v31;
	v58 =	vld.idx.msk [tilespmem:v47+s1+$0x0], $0xffff;
	v47 =	vor.u32 v38, v44  }
0x140: {  	v55 =	vmov s9;
	v42 =	vor.u32 v37, v42;
	v48 =	vand.u32 $0x3F, v61;
	v46 =	vld.idx.msk [tilespmem:v43+s1+$0x0], $0xffff  }
0x141: {  	v55 =	vshll.u32 v55, $0x7;
	v48 =	vor.u32 v39, v48;
	v45 =	vld.idx.msk [tilespmem:v45+s1+$0x0], $0xffff  }
0x142: {  	v59 =	vor.u32 v0, v55;
	v56 =	vor.u32 v36, v63;
	v50 =	vld.idx.msk [tilespmem:v50+s1+$0x0], $0xffff  }
0x143: {  	v60 =	vor.u32 v1, v55;
	v44 =	vld.idx.msk [tilespmem:v41+s1+$0x0], $0xffff  }
0x144: {  	v43 =	vld.idx.msk [tilespmem:v47+s1+$0x0], $0xffff;
	v47 =	vor.u32 v2, v55  }
0x145: {  	v61 =	vor.u32 v3, v55;
	v41 =	vld.idx.msk [tilespmem:v42+s1+$0x0], $0xffff  }
0x146: {  	v62 =	vor.u32 v4, v55;
	v42 =	vld.idx.msk [tilespmem:v48+s1+$0x0], $0xffff  }
0x147: {  	v63 =	vor.u32 v6, v55;
	v48 =	vld.idx.msk [tilespmem:v56+s1+$0x0], $0xffff;
	[tilespmem:v59+s6+$0x0] =	vst.idx.msk $0xffff, v49  }
0x148: {  	v49 =	vmov s30;
	v59 =	vor.u32 v7, v55;
	[tilespmem:v60+s6+$0x0] =	vst.idx.msk $0xffff, v52  }
0x149: {  	v56 =	vor.u32 v8, v55;
	v49 =	vshll.u32 v49, $0x7;
	[tilespmem:v47+s6+$0x0] =	vst.idx.msk $0xffff, v53  }
0x14a: {  	v55 =	vor.u32 v0, v49;
	[tilespmem:v61+s6+$0x0] =	vst.idx.msk $0xffff, v54  }
0x14b: {  	v54 =	vor.u32 v1, v49;
	[tilespmem:v62+s6+$0x0] =	vst.idx.msk $0xffff, v58  }
0x14c: {  	v52 =	vor.u32 v2, v49;
	v47 =	vor.u32 v6, v49;
	[tilespmem:v63+s6+$0x0] =	vst.idx.msk $0xffff, v57  }
0x14d: {  	s16 =	simm.s32 $0x2;
	v53 =	vor.u32 v3, v49;
	[tilespmem:v59+s6+$0x0] =	vst.idx.msk $0xffff, v51;
	v51 =	vor.u32 v4, v49  }
.LBB2_16:
0x14e: {  	v57 =	vadd.s32 s16, v28;
	v58 =	vadd.s32 s16, v30;
	p1 =	sne.s32 s16, $0x3E;
	[tilespmem:v56+s6+$0x0] =	vst.idx.msk $0xffff, v40;
	s25 =	smov.u32 s16;
	s16 =	sadd.s32 $0x2, s16  }
0x14f: {  	v40 =	vand.u32 $0x3F, v57;
	v56 =	vand.u32 $0x3F, v58;
	[tilespmem:v55+s6+$0x0] =	vst.idx.msk $0xffff, v44;
	v44 =	vor.u32 v7, v49  }
0x150: {  	v55 =	vadd.s32 s25, v31;
	[tilespmem:v54+s6+$0x0] =	vst.idx.msk $0xffff, v46;
	v46 =	vor.u32 v8, v49  }
0x151: {  	v49 =	vadd.s32 s25, v26;
	v54 =	vor.u32 v38, v56;
	v55 =	vand.u32 $0x3F, v55;
	[tilespmem:v52+s6+$0x0] =	vst.idx.msk $0xffff, v50  }
0x152: {  	v50 =	vadd.s32 s25, v24;
	v52 =	vadd.s32 s25, v29;
	v55 =	vor.u32 v39, v55;
	[tilespmem:v53+s6+$0x0] =	vst.idx.msk $0xffff, v45  }
0x153: {  	v45 =	vand.u32 $0x3F, v50;
	v50 =	vadd.s32 s25, v25;
	v52 =	vand.u32 $0x3F, v52;
	[tilespmem:v51+s6+$0x0] =	vst.idx.msk $0xffff, v48  }
0x154: {  	v45 =	vor.u32 v32, v45;
	v48 =	vand.u32 $0x3F, v50;
	v50 =	vor.u32 v37, v52;
	[tilespmem:v47+s6+$0x0] =	vst.idx.msk $0xffff, v41  }
0x155: {  	v41 =	vor.u32 v33, v48;
	v47 =	vand.u32 $0x3F, v49;
	v48 =	vadd.s32 s25, v27;
	[tilespmem:v44+s6+$0x0] =	vst.idx.msk $0xffff, v43  }
0x156: {  	s17 =	sadd.s32 $0x1, s25;
	v43 =	vor.u32 v34, v47;
	v44 =	vand.u32 $0x3F, v48;
	v47 =	vor.u32 v36, v40;
	[tilespmem:v46+s6+$0x0] =	vst.idx.msk $0xffff, v42  }
0x157: {  	v42 =	vor.u32 v35, v44;
	v44 =	vadd.s32 s17, v27;
	v46 =	vadd.s32 s17, v31;
	v40 =	vld.idx.msk [tilespmem:v55+s1+$0x0], $0xffff  }
0x158: {  	v52 =	vadd.s32 s17, v29;
	v49 =	vadd.s32 s17, v25;
	v48 =	vadd.s32 s17, v24;
	v51 =	vld.idx.msk [tilespmem:v54+s1+$0x0], $0xffff  }
0x159: {  	v53 =	vld.idx.msk [tilespmem:v45+s1+$0x0], $0xffff;
	v45 =	vand.u32 $0x3F, v48;
	v48 =	vand.u32 $0x3F, v52;
	v52 =	vadd.s32 s17, v30  }
0x15a: {  	v54 =	vld.idx.msk [tilespmem:v41+s1+$0x0], $0xffff;
	v41 =	vor.u32 v32, v45;
	v45 =	vand.u32 $0x3F, v49;
	v49 =	vadd.s32 s17, v28  }
0x15b: {  	v48 =	vor.u32 v37, v48;
	v55 =	vld.idx.msk [tilespmem:v43+s1+$0x0], $0xffff;
	v43 =	vor.u32 v33, v45;
	v45 =	vadd.s32 s17, v26  }
0x15c: {  	v44 =	vand.u32 $0x3F, v44;
	v57 =	vld.idx.msk [tilespmem:v42+s1+$0x0], $0xffff;
	v42 =	vand.u32 $0x3F, v45;
	v45 =	vand.u32 $0x3F, v49  }
0x15d: {  	v58 =	vld.idx.msk [tilespmem:v50+s1+$0x0], $0xffff;
	v50 =	vor.u32 v35, v44;
	v56 =	vor.u32 v36, v45;
	v44 =	vand.u32 $0x3F, v52  }
0x15e: {  	v59 =	vor.u32 v34, v42;
	v45 =	vand.u32 $0x3F, v46;
	v52 =	vld.idx.msk [tilespmem:v47+s1+$0x0], $0xffff;
	v42 =	vor.u32 v38, v44  }
0x15f: {  	v49 =	vmov s17;
	v47 =	vmov s25;
	v60 =	vor.u32 v39, v45;
	v44 =	vld.idx.msk [tilespmem:v41+s1+$0x0], $0xffff  }
0x160: {  	v49 =	vshll.u32 v49, $0x7;
	v61 =	vshll.u32 v47, $0x7;
	v46 =	vld.idx.msk [tilespmem:v43+s1+$0x0], $0xffff  }
0x161: {  	v47 =	vor.u32 v6, v49;
	v62 =	vor.u32 v0, v61;
	v41 =	vld.idx.msk [tilespmem:v48+s1+$0x0], $0xffff  }
0x162: {  	v63 =	vor.u32 v1, v61;
	v45 =	vld.idx.msk [tilespmem:v50+s1+$0x0], $0xffff  }
0x163: {  	v11 =	vor.u32 v2, v61;
	v43 =	vld.idx.msk [tilespmem:v42+s1+$0x0], $0xffff  }
0x164: {  	v42 =	vld.idx.msk [tilespmem:v60+s1+$0x0], $0xffff;
	v60 =	vor.u32 v3, v61  }
0x165: {  	v50 =	vld.idx.msk [tilespmem:v59+s1+$0x0], $0xffff;
	v59 =	vor.u32 v4, v61  }
0x166: {  	v17 =	vor.u32 v6, v61;
	v48 =	vld.idx.msk [tilespmem:v56+s1+$0x0], $0xffff  }
0x167: {  	[tilespmem:v62+s6+$0x0] =	vst.idx.msk $0xffff, v53;
	v62 =	vor.u32 v7, v61  }
0x168: {  	v56 =	vor.u32 v8, v61;
	[tilespmem:v63+s6+$0x0] =	vst.idx.msk $0xffff, v54  }
.Ltmp9:
0x169: {  	[tilespmem:v11+s6+$0x0] =	vst.idx.msk $0xffff, v55;
	v55 =	vor.u32 v0, v49;
	(pc) =	sbr.rel @p1 .LBB2_16-.Ltmp9, $4  }
0x16a: {  	v54 =	vor.u32 v1, v49;
	[tilespmem:v60+s6+$0x0] =	vst.idx.msk $0xffff, v57  }
0x16b: {  	[tilespmem:v59+s6+$0x0] =	vst.idx.msk $0xffff, v52;
	v52 =	vor.u32 v2, v49  }
0x16c: {  	v53 =	vor.u32 v3, v49;
	[tilespmem:v17+s6+$0x0] =	vst.idx.msk $0xffff, v58  }
0x16d: {  	[tilespmem:v62+s6+$0x0] =	vst.idx.msk $0xffff, v51;
	v51 =	vor.u32 v4, v49  }
0x16e: {  	_ =	sdelay $0x3  }
0x16f: {  	[tilespmem:v56+s6+$0x0] =	vst.idx.msk $0xffff, v40  }
0x170: {  	[tilespmem:v55+s6+$0x0] =	vst.idx.msk $0xffff, v44  }
0x171: {  	v11 =	vor.u32 v7, v49;
	[tilespmem:v54+s6+$0x0] =	vst.idx.msk $0xffff, v46  }
0x172: {  	v17 =	vor.u32 v8, v49;
	[tilespmem:v52+s6+$0x0] =	vst.idx.msk $0xffff, v50  }
0x173: {  	[tilespmem:v53+s6+$0x0] =	vst.idx.msk $0xffff, v45  }
0x174: {  	s16 =	sshll.u32 s10, $0xB;
	[tilespmem:v51+s6+$0x0] =	vst.idx.msk $0xffff, v48  }
0x175: {  	s16 =	sadd.s32 s14, s16;
	[tilespmem:v47+s6+$0x0] =	vst.idx.msk $0xffff, v41  }
0x176: {  	s16 =	sshrl.u32 s16, $0x3;
	[tilespmem:v11+s6+$0x0] =	vst.idx.msk $0xffff, v43  }
0x177: {  	p1 =	seq.s32 s10, $0x27;
	s16 =	sadd.s32 s4, s16;
	[tilespmem:v17+s6+$0x0] =	vst.idx.msk $0xffff, v42  }
0x178: {  	[hbm4b:s16+s19] =	stream.strided.scatter [tilespmem:s6], [sflag:$0x4], $0x2000, s29, s19, $0x38;
	[tilespmem:$0x19000] =	vst v63  }
0x179: {  	p2 =	seq.s32 @!p1 s10, $0x0;
	s16 =	sshll.u32 @!p1 s10, $0x8;
	_ =	swait.ge [sflag:s18], $0x4000  }
0x17a: {  	s17 =	simm.s32 @!p1 $0x80;
	s16 =	sand.u32 @!p1 $0x3FFFFF00, s16;
	[sflag:s18] =	ssyncset.done $0x0  }
0x17b: {  	s25 =	simm.s32 @!p1 $0xD000;
	s16 =	sadd.s32 @!p1 $0x100, s16;
	[sflag:s18] =	ssyncadd.s32 $0xFFFFC000  }
0x17c: {  	[tilespmem:s25], [sflag:$0x3] =	stream.indirect.gather @!p1 [hbm4b:s7+s17], $0x80, s16, s17, $0xb8;
	[tilespmem:$0x19000] =	vst v63  }
0x17d: {  	p1 =	por p1, !p2  }
0x17e: {  	_ =	swait.ge @p1 [sflag:s0], $0x2000  }
0x17f: {  	[sflag:s0] =	ssyncset.done @p1 $0x0  }
0x180: {  	[sflag:s0] =	ssyncadd.s32 @p1 $0xFFFFE000  }
0x181: {  	v11 =	vld [tilespmem:s13+$0x2800]  }
0x182: {  	v17 =	vld [tilespmem:s13+$0x0]  }
0x183: {  	v25 =	vld [tilespmem:s13+$0x2810]  }
0x184: {  	v26 =	vld [tilespmem:s13+$0x10]  }
0x185: {  	v27 =	vld [tilespmem:s13+$0x2820]  }
0x186: {  	v28 =	vld [tilespmem:s13+$0x20]  }
0x187: {  	v29 =	vld [tilespmem:s13+$0x2830]  }
0x188: {  	v31 =	vld [tilespmem:s13+$0x2840]  }
0x189: {  	v33 =	vld [tilespmem:s13+$0x2850]  }
0x18a: {  	v35 =	vld [tilespmem:s13+$0x2860]  }
0x18b: {  	v38 =	vld [tilespmem:s13+$0x2870]  }
0x18c: {  	v32 =	vld [tilespmem:s13+$0x40]  }
0x18d: {  	v30 =	vld [tilespmem:s13+$0x30]  }
0x18e: {  	v37 =	vld [tilespmem:s13+$0x60];
	v36 =	vshll.u32 v11, $0x6;
	v17 =	vshll.u32 v17, $0x1;
	v60 =	vshll.u32 v29, $0x6  }
0x18f: {  	v39 =	vld [tilespmem:s13+$0x70];
	v61 =	vshll.u32 v31, $0x6;
	v62 =	vshll.u32 v33, $0x6;
	v63 =	vshll.u32 v35, $0x6  }
0x190: {  	v48 =	vshll.u32 v38, $0x6;
	v24 =	vadd.s32 v11, v17;
	v11 =	vshll.u32 v25, $0x6  }
0x191: {  	v34 =	vld [tilespmem:s13+$0x50];
	v17 =	vshll.u32 v26, $0x1;
	v26 =	vshll.u32 v28, $0x1;
	v28 =	vshll.u32 v32, $0x1  }
0x192: {  	v32 =	vadd.s32 v18, v36;
	v36 =	vadd.s32 v20, v61;
	v25 =	vadd.s32 v25, v17  }
0x193: {  	v49 =	vld [tilespmem:$0x1FFE0];
	v17 =	vshll.u32 v27, $0x6;
	v26 =	vadd.s32 v27, v26;
	v27 =	vshll.u32 v30, $0x1  }
0x194: {  	s28 =	simm.s32 $0x0;
	v28 =	vadd.s32 v31, v28;
	v30 =	vshll.u32 v37, $0x1;
	v31 =	vshll.u32 v39, $0x1  }
0x195: {  	s30 =	simm.s32 $0x1;
	v37 =	vadd.s32 v21, v62;
	v39 =	vadd.s32 v23, v48;
	v50 =	vadd.s32 s28, v24  }
0x196: {  	v57 =	vadd.s32 s30, v24;
	v27 =	vadd.s32 v29, v27;
	v29 =	vshll.u32 v34, $0x1  }
0x197: {  	v30 =	vadd.s32 v35, v30;
	v31 =	vadd.s32 v38, v31;
	v35 =	vadd.s32 v19, v60  }
0x198: {  	v38 =	vadd.s32 v22, v63;
	v29 =	vadd.s32 v33, v29;
	v33 =	vadd.s32 v49, v11;
	v11 =	vld [tilespmem:$0x1FFF0]  }
0x199: {  	v40 =	vand.u32 $0x3F, v50;
	v51 =	vadd.s32 s28, v25;
	v52 =	vadd.s32 s28, v26  }
0x19a: {  	v53 =	vor.u32 v32, v40;
	v59 =	vand.u32 $0x3F, v51;
	v61 =	vadd.s32 s28, v27  }
0x19b: {  	v41 =	vor.u32 v33, v59;
	v62 =	vadd.s32 s28, v29;
	v54 =	vand.u32 $0x3F, v61  }
0x19c: {  	v60 =	vand.u32 $0x3F, v52;
	v44 =	vand.u32 $0x3F, v62;
	v46 =	vor.u32 v35, v54  }
0x19d: {  	v56 =	vor.u32 v37, v44;
	v34 =	vadd.s32 v11, v17;
	v11 =	vadd.s32 s28, v31  }
0x19e: {  	v58 =	vadd.s32 s30, v25;
	v11 =	vand.u32 $0x3F, v11;
	v63 =	vor.u32 v34, v60  }
0x19f: {  	v59 =	vand.u32 $0x3F, v57;
	v17 =	vadd.s32 s28, v30;
	v49 =	vld.idx.msk [tilespmem:v53+s20+$0x0], $0xffff;
	v11 =	vor.u32 v39, v11  }
0x1a0: {  	v17 =	vand.u32 $0x3F, v17;
	v60 =	vadd.s32 s30, v29;
	v51 =	vld.idx.msk [tilespmem:v41+s20+$0x0], $0xffff;
	v41 =	vor.u32 v32, v59  }
0x1a1: {  	v62 =	vadd.s32 s30, v27;
	v17 =	vor.u32 v38, v17;
	v44 =	vand.u32 $0x3F, v60;
	v53 =	vld.idx.msk [tilespmem:v46+s20+$0x0], $0xffff  }
0x1a2: {  	v61 =	vand.u32 $0x3F, v58;
	v54 =	vand.u32 $0x3F, v62;
	v48 =	vor.u32 v37, v44;
	v57 =	vld.idx.msk [tilespmem:v56+s20+$0x0], $0xffff  }
0x1a3: {  	v55 =	vadd.s32 s28, v28;
	v43 =	vor.u32 v33, v61;
	v42 =	vor.u32 v35, v54;
	v52 =	vld.idx.msk [tilespmem:v63+s20+$0x0], $0xffff  }
0x1a4: {  	v61 =	vadd.s32 s30, v26;
	v63 =	vadd.s32 s30, v30;
	v40 =	vld.idx.msk [tilespmem:v11+s20+$0x0], $0xffff;
	v11 =	vand.u32 $0x3F, v55  }
0x1a5: {  	v62 =	vadd.s32 s30, v28;
	v44 =	vld.idx.msk [tilespmem:v41+s20+$0x0], $0xffff;
	v60 =	vand.u32 $0x3F, v63;
	v11 =	vor.u32 v36, v11  }
0x1a6: {  	v45 =	vand.u32 $0x3F, v61;
	v61 =	vmov s28;
	v17 =	vld.idx.msk [tilespmem:v17+s20+$0x0], $0xffff;
	v47 =	vor.u32 v38, v60  }
0x1a7: {  	v59 =	vand.u32 $0x3F, v62;
	v55 =	vadd.s32 s30, v31;
	v60 =	vor.u32 v34, v45;
	v41 =	vld.idx.msk [tilespmem:v48+s20+$0x0], $0xffff  }
0x1a8: {  	v56 =	vshll.u32 v61, $0x7;
	v46 =	vand.u32 $0x3F, v55;
	v55 =	vor.u32 v36, v59;
	v45 =	vld.idx.msk [tilespmem:v42+s20+$0x0], $0xffff  }
0x1a9: {  	v58 =	vor.u32 v0, v56;
	v63 =	vor.u32 v39, v46;
	v46 =	vld.idx.msk [tilespmem:v43+s20+$0x0], $0xffff  }
0x1aa: {  	v59 =	vor.u32 v1, v56;
	v11 =	vld.idx.msk [tilespmem:v11+s20+$0x0], $0xffff  }
0x1ab: {  	v43 =	vld.idx.msk [tilespmem:v47+s20+$0x0], $0xffff;
	v47 =	vor.u32 v2, v56  }
0x1ac: {  	v54 =	vor.u32 v3, v56;
	v50 =	vld.idx.msk [tilespmem:v60+s20+$0x0], $0xffff  }
0x1ad: {  	v60 =	vor.u32 v4, v56;
	v48 =	vld.idx.msk [tilespmem:v55+s20+$0x0], $0xffff  }
0x1ae: {  	v61 =	vor.u32 v6, v56;
	v42 =	vld.idx.msk [tilespmem:v63+s20+$0x0], $0xffff;
	[tilespmem:v58+s12+$0x0] =	vst.idx.msk $0xffff, v49  }
0x1af: {  	v62 =	vmov s30;
	v63 =	vor.u32 v7, v56;
	[tilespmem:v59+s12+$0x0] =	vst.idx.msk $0xffff, v51  }
0x1b0: {  	v49 =	vshll.u32 v62, $0x7;
	v56 =	vor.u32 v8, v56;
	[tilespmem:v47+s12+$0x0] =	vst.idx.msk $0xffff, v52  }
0x1b1: {  	v55 =	vor.u32 v0, v49;
	[tilespmem:v54+s12+$0x0] =	vst.idx.msk $0xffff, v53  }
0x1b2: {  	v54 =	vor.u32 v1, v49;
	[tilespmem:v60+s12+$0x0] =	vst.idx.msk $0xffff, v11  }
0x1b3: {  	v51 =	vor.u32 v4, v49;
	v52 =	vor.u32 v2, v49;
	[tilespmem:v61+s12+$0x0] =	vst.idx.msk $0xffff, v57  }
0x1b4: {  	s16 =	simm.s32 $0x2;
	v47 =	vor.u32 v6, v49;
	v53 =	vor.u32 v3, v49;
	[tilespmem:v63+s12+$0x0] =	vst.idx.msk $0xffff, v17  }
.LBB2_18:
0x1b5: {  	v11 =	vadd.s32 s16, v28;
	v17 =	vadd.s32 s16, v30;
	p1 =	sne.s32 s16, $0x3E;
	[tilespmem:v56+s12+$0x0] =	vst.idx.msk $0xffff, v40;
	s25 =	smov.u32 s16;
	s16 =	sadd.s32 $0x2, s16  }
0x1b6: {  	v40 =	vor.u32 v7, v49;
	v11 =	vand.u32 $0x3F, v11;
	v17 =	vand.u32 $0x3F, v17;
	[tilespmem:v55+s12+$0x0] =	vst.idx.msk $0xffff, v44  }
0x1b7: {  	v44 =	vadd.s32 s25, v31;
	[tilespmem:v54+s12+$0x0] =	vst.idx.msk $0xffff, v46;
	v46 =	vor.u32 v8, v49  }
0x1b8: {  	v49 =	vadd.s32 s25, v26;
	v17 =	vor.u32 v38, v17;
	v44 =	vand.u32 $0x3F, v44;
	[tilespmem:v52+s12+$0x0] =	vst.idx.msk $0xffff, v50  }
0x1b9: {  	v50 =	vadd.s32 s25, v24;
	v52 =	vadd.s32 s25, v29;
	v44 =	vor.u32 v39, v44;
	[tilespmem:v53+s12+$0x0] =	vst.idx.msk $0xffff, v45  }
0x1ba: {  	v45 =	vand.u32 $0x3F, v50;
	v50 =	vadd.s32 s25, v25;
	v52 =	vand.u32 $0x3F, v52;
	[tilespmem:v51+s12+$0x0] =	vst.idx.msk $0xffff, v48  }
0x1bb: {  	v45 =	vor.u32 v32, v45;
	v48 =	vand.u32 $0x3F, v50;
	v50 =	vor.u32 v37, v52;
	[tilespmem:v47+s12+$0x0] =	vst.idx.msk $0xffff, v41  }
0x1bc: {  	v41 =	vor.u32 v33, v48;
	v47 =	vand.u32 $0x3F, v49;
	v48 =	vadd.s32 s25, v27;
	[tilespmem:v40+s12+$0x0] =	vst.idx.msk $0xffff, v43  }
0x1bd: {  	s17 =	sadd.s32 $0x1, s25;
	v11 =	vor.u32 v36, v11;
	v43 =	vor.u32 v34, v47;
	v40 =	vand.u32 $0x3F, v48;
	[tilespmem:v46+s12+$0x0] =	vst.idx.msk $0xffff, v42  }
0x1be: {  	v42 =	vor.u32 v35, v40;
	v46 =	vadd.s32 s17, v31;
	v40 =	vld.idx.msk [tilespmem:v44+s20+$0x0], $0xffff;
	v44 =	vadd.s32 s17, v27  }
0x1bf: {  	v49 =	vadd.s32 s17, v29;
	v47 =	vadd.s32 s17, v24;
	v48 =	vadd.s32 s17, v25;
	v17 =	vld.idx.msk [tilespmem:v17+s20+$0x0], $0xffff  }
0x1c0: {  	v51 =	vld.idx.msk [tilespmem:v45+s20+$0x0], $0xffff;
	v45 =	vand.u32 $0x3F, v47;
	v47 =	vand.u32 $0x3F, v49;
	v49 =	vadd.s32 s17, v30  }
0x1c1: {  	v52 =	vld.idx.msk [tilespmem:v41+s20+$0x0], $0xffff;
	v41 =	vor.u32 v32, v45;
	v45 =	vand.u32 $0x3F, v48;
	v48 =	vadd.s32 s17, v28  }
0x1c2: {  	v47 =	vor.u32 v37, v47;
	v53 =	vld.idx.msk [tilespmem:v43+s20+$0x0], $0xffff;
	v43 =	vor.u32 v33, v45;
	v45 =	vadd.s32 s17, v26  }
0x1c3: {  	v44 =	vand.u32 $0x3F, v44;
	v54 =	vld.idx.msk [tilespmem:v42+s20+$0x0], $0xffff;
	v42 =	vand.u32 $0x3F, v45;
	v45 =	vand.u32 $0x3F, v48  }
0x1c4: {  	v48 =	vor.u32 v35, v44;
	v44 =	vand.u32 $0x3F, v49;
	v57 =	vld.idx.msk [tilespmem:v50+s20+$0x0], $0xffff;
	v55 =	vor.u32 v36, v45  }
0x1c5: {  	v50 =	vor.u32 v34, v42;
	v42 =	vor.u32 v38, v44;
	v45 =	vand.u32 $0x3F, v46;
	v11 =	vld.idx.msk [tilespmem:v11+s20+$0x0], $0xffff  }
0x1c6: {  	v56 =	vmov s17;
	v49 =	vmov s25;
	v58 =	vor.u32 v39, v45;
	v44 =	vld.idx.msk [tilespmem:v41+s20+$0x0], $0xffff  }
0x1c7: {  	v59 =	vshll.u32 v49, $0x7;
	v49 =	vshll.u32 v56, $0x7;
	v46 =	vld.idx.msk [tilespmem:v43+s20+$0x0], $0xffff  }
0x1c8: {  	v56 =	vor.u32 v0, v59;
	v41 =	vld.idx.msk [tilespmem:v47+s20+$0x0], $0xffff;
	v47 =	vor.u32 v6, v49  }
0x1c9: {  	v60 =	vor.u32 v1, v59;
	v45 =	vld.idx.msk [tilespmem:v48+s20+$0x0], $0xffff  }
0x1ca: {  	v61 =	vor.u32 v2, v59;
	v43 =	vld.idx.msk [tilespmem:v42+s20+$0x0], $0xffff  }
0x1cb: {  	v42 =	vld.idx.msk [tilespmem:v58+s20+$0x0], $0xffff;
	v58 =	vor.u32 v3, v59  }
0x1cc: {  	v62 =	vor.u32 v4, v59;
	v50 =	vld.idx.msk [tilespmem:v50+s20+$0x0], $0xffff  }
0x1cd: {  	v63 =	vor.u32 v6, v59;
	v48 =	vld.idx.msk [tilespmem:v55+s20+$0x0], $0xffff  }
0x1ce: {  	[tilespmem:v56+s12+$0x0] =	vst.idx.msk $0xffff, v51;
	v51 =	vor.u32 v7, v59  }
0x1cf: {  	v56 =	vor.u32 v8, v59;
	[tilespmem:v60+s12+$0x0] =	vst.idx.msk $0xffff, v52  }
.Ltmp10:
0x1d0: {  	v55 =	vor.u32 v0, v49;
	[tilespmem:v61+s12+$0x0] =	vst.idx.msk $0xffff, v53;
	(pc) =	sbr.rel @p1 .LBB2_18-.Ltmp10, $4  }
0x1d1: {  	[tilespmem:v58+s12+$0x0] =	vst.idx.msk $0xffff, v54;
	v54 =	vor.u32 v1, v49  }
0x1d2: {  	v52 =	vor.u32 v2, v49;
	[tilespmem:v62+s12+$0x0] =	vst.idx.msk $0xffff, v11  }
0x1d3: {  	v53 =	vor.u32 v3, v49;
	[tilespmem:v63+s12+$0x0] =	vst.idx.msk $0xffff, v57  }
0x1d4: {  	[tilespmem:v51+s12+$0x0] =	vst.idx.msk $0xffff, v17;
	v51 =	vor.u32 v4, v49  }
0x1d5: {  	_ =	sdelay $0x3  }
0x1d6: {  	[tilespmem:v56+s12+$0x0] =	vst.idx.msk $0xffff, v40  }
0x1d7: {  	[tilespmem:v55+s12+$0x0] =	vst.idx.msk $0xffff, v44  }
0x1d8: {  	v11 =	vor.u32 v7, v49;
	[tilespmem:v54+s12+$0x0] =	vst.idx.msk $0xffff, v46  }
0x1d9: {  	v17 =	vor.u32 v8, v49;
	s10 =	sadd.s32 $0x1, s10;
	[tilespmem:v52+s12+$0x0] =	vst.idx.msk $0xffff, v50  }
0x1da: {  	p1 =	sne.s32 s10, $0x28;
	[tilespmem:v53+s12+$0x0] =	vst.idx.msk $0xffff, v45  }
.Ltmp11:
0x1db: {  	[tilespmem:v51+s12+$0x0] =	vst.idx.msk $0xffff, v48;
	(pc) =	sbr.rel @p1 .LBB2_15-.Ltmp11, $4  }
0x1dc: {  	[tilespmem:v47+s12+$0x0] =	vst.idx.msk $0xffff, v41  }
0x1dd: {  	[tilespmem:v11+s12+$0x0] =	vst.idx.msk $0xffff, v43  }
0x1de: {  	s13 =	sadd.s32 s13, s15;
	[tilespmem:v17+s12+$0x0] =	vst.idx.msk $0xffff, v42  }
0x1df: {  	[hbm4b:s13+s19] =	stream.strided.scatter [tilespmem:s12], [sflag:$0x4], $0x2000, s29, s19, $0x38;
	[tilespmem:$0x19000] =	vst v63  }
0x1e0: {  	_ =	swait.ge [sflag:s0], $0x2000  }
0x1e1: {  	[sflag:s0] =	ssyncset.done $0x0  }
0x1e2: {  	[sflag:s0] =	ssyncadd.s32 $0xFFFFE000  }
0x1e3: {  	_ =	swait.ge [sflag:s0], $0x2000  }
0x1e4: {  	s8 =	sadd.s32 $0x1, s8;
	s9 =	rddreg [dreg:$0xa]  }
0x1e5: {  	p1 =	sne.s32 s8, s9  }
.Ltmp12:
0x1e6: {  	_ = 	snop;
	(pc) =	sbr.rel @p1 .LBB2_1-.Ltmp12, $3  }
0x1e7: {  	_ =	sdelay $0x1  }
0x1e8: {  	[sflag:s0] =	ssyncset.done $0x0  }
0x1e9: {  	[sflag:s0] =	ssyncadd.s32 $0xFFFFE000  }
0x1ea: {  	_ =	sfence.sel $0x180000  }
0x1eb: {  	[bflag:$0x0] =	sbarrier.arrive $0xFFFF  }
0x1ec: {  	_ =	strace $0x90000047  }
0x1ed: {  	s0 =	stileid.u32;
	[bflag:$0x2] =	sbarrier.arrive $0xFFFF  }
0x1ee: {  	p0 =	sne.s32 s0, $0x0;
	s0 =	rddreg [dreg:$0x3]  }
0x1ef: {  	s0 =	sadd.s32 @!p0 $0x100000, s0  }
0x1f0: {  	[sflag:s0] =	ssyncadd.tile.s32 @!p0 $0x1;
	_ =	shalt  }
.Lfunc_end2:
_tile_overlayer_lowered:
.L_overlay_start_2:
0x1f1: {  	(tag) =	ssettag $0x2  }
0x1f2: {  	s0 =	rddreg [dreg:$0x0];
	s2 =	stileid.u32  }
0x1f3: {  	s1 =	rddreg [dreg:$0x1];
	p0 =	sne.s32 s2, $0x0  }
0x1f4: {  	s3 =	rddreg [dreg:$0x2];
	[bflag:$0x3] =	sbarrier.arrive $0xFFFF;
	s2 =	simm.s32 @!p0 $0x1C06  }
0x1f5: {  	[timem:s3], [sflag:s2] =	dma.local @!p0 [hbm:s0], s1  }
0x1f6: {  	s0 =	simm.s32 @!p0 $0x6  }
0x1f7: {  	_ =	swait.ge @!p0 [sflag:s0], s1  }
0x1f8: {  	s1 =	ssub.s32 @!p0 $0x0, s1;
	[sflag:s0] =	ssyncset.done @!p0 $0x0  }
0x1f9: {  	[sflag:s0] =	ssyncadd.s32 @!p0 s1  }
0x1fa: {  	[bflag:$0x3] =	sbarrier.arrive $0xFFFF  }
0x1fb: {  	_ =	shalt  }

</sc_bundles>
